<compile_context>
chip_gen: v7x
topology: tpu7x:2x2x1
jax: 0.10.2.dev20260603
libtpu: 0.0.44.dev20260713+nightly
codegen_flags: <defaults>
</compile_context>

<pallas_src>
import functools

import numpy as np

import jax
import jax.numpy as jnp
from jax import lax
from jax.experimental import pallas as pl
from jax.experimental.pallas import tpu as pltpu
from jax.experimental.pallas import tpu_sc as plsc

_SEQ = 32768
_M = 4096
_MAX_SET = 256
_NUM_BINS = 128
_D_MODEL = 256
_HASH_MULT = 1315423911
_HASH_SEED = 13
_GAMMA = 1.0
_BETA = 0.0

_Z = np.int32(0)
_NC = 2
_NS = 16
_NW = _NC * _NS
_ROWS_PER_TILE = _M // _NW
_IDX_PER_TILE = _ROWS_PER_TILE * _MAX_SET
_CNT_PER_TILE = _ROWS_PER_TILE * _NUM_BINS


def _hist_sc(tok_i32, idx_flat_i32):
    mesh = plsc.VectorSubcoreMesh(core_axis_name="c", subcore_axis_name="s")

    @functools.partial(
        pl.kernel,
        mesh=mesh,
        out_type=jax.ShapeDtypeStruct((_M * _NUM_BINS,), jnp.float32),
        scratch_types=[
            pltpu.VMEM((_SEQ,), jnp.int32),
            pltpu.VMEM((_IDX_PER_TILE,), jnp.int32),
            pltpu.VMEM((_CNT_PER_TILE,), jnp.float32),
            pltpu.SemaphoreType.DMA,
            pltpu.SemaphoreType.DMA,
        ],
        compiler_params=pltpu.CompilerParams(needs_layout_passes=False),
    )
    def hist(tok_hbm, idx_hbm, out_hbm, tok_v, idx_v, cnt_v, sem_t, sem_i):
        i32 = jnp.int32
        wid = lax.axis_index("s") * i32(_NC) + lax.axis_index("c")
        cp_i = pltpu.async_copy(
            idx_hbm.at[pl.ds(wid * i32(_IDX_PER_TILE), _IDX_PER_TILE)], idx_v, sem_i)
        cp_t = pltpu.async_copy(tok_hbm, tok_v, sem_t)
        cp_t.wait()

        @plsc.parallel_loop(i32(0), i32(_SEQ // 16), i32(1), unroll=8)
        def prehash(k):
            off = k * i32(16)
            t = tok_v[pl.ds(off, 16)]
            tok_v[pl.ds(off, 16)] = (t * i32(_HASH_MULT) + i32(_HASH_SEED)) & i32(_NUM_BINS - 1)

        cp_i.wait()
        ones = jnp.ones((16,), jnp.float32)
        zeros = jnp.zeros((16,), jnp.float32)

        @plsc.parallel_loop(i32(0), i32(_ROWS_PER_TILE), i32(1), unroll=4)
        def row_body(r):
            cbase = r * i32(_NUM_BINS)
            for c in range(_NUM_BINS // 16):
                cnt_v[pl.ds(cbase + i32(c * 16), 16)] = zeros
            ibase = r * i32(_MAX_SET)
            for j in range(_MAX_SET // 16):
                idx = idx_v[pl.ds(ibase + i32(j * 16), 16)]
                bins = plsc.load_gather(tok_v, [idx])
                plsc.addupdate_scatter(cnt_v, [cbase + bins], ones)
        pltpu.sync_copy(cnt_v, out_hbm.at[pl.ds(wid * i32(_CNT_PER_TILE), _CNT_PER_TILE)])

    return hist(tok_i32, idx_flat_i32)


def _geom_body(prow_ref, pcol_ref, geom_ref):
    geom_ref[...] = -_GAMMA * jnp.abs(prow_ref[...] - pcol_ref[...]) + _BETA


def _geom_tc(prow, pcol):
    blk = 256
    return pl.pallas_call(
        _geom_body,
        grid=(_M // blk,),
        in_specs=[
            pl.BlockSpec((blk, 1), lambda i: (i, _Z)),
            pl.BlockSpec((1, _M), lambda i: (_Z, _Z)),
        ],
        out_specs=pl.BlockSpec((blk, _M), lambda i: (i, _Z)),
        out_shape=jax.ShapeDtypeStruct((_M, _M), jnp.float32),
    )(prow, pcol)


def _feat_body(cnt_ref, sz_ref, wa_ref, ba_ref, wr_ref, br_ref, phi_ref, rout_ref):
    denom = jnp.maximum(sz_ref[...], 1.0)
    c = cnt_ref[...] / denom
    dn = (((1,), (1,)), ((), ()))
    phi_ref[...] = lax.dot_general(c, wa_ref[...], dn,
                                   preferred_element_type=jnp.float32) + ba_ref[...]
    rout_ref[...] = lax.dot_general(c, wr_ref[...], dn,
                                    preferred_element_type=jnp.float32) + br_ref[...]


def _feat_tc(cnt, sizes, w_attn, b_attn, w_router, b_router):
    blk = 4096
    return pl.pallas_call(
        _feat_body,
        grid=(_M // blk,),
        in_specs=[
            pl.BlockSpec((blk, _NUM_BINS), lambda i: (i, _Z)),
            pl.BlockSpec((blk, 1), lambda i: (i, _Z)),
            pl.BlockSpec((_D_MODEL, _NUM_BINS), lambda i: (_Z, _Z)),
            pl.BlockSpec((1, _D_MODEL), lambda i: (_Z, _Z)),
            pl.BlockSpec((_D_MODEL, _NUM_BINS), lambda i: (_Z, _Z)),
            pl.BlockSpec((1, _D_MODEL), lambda i: (_Z, _Z)),
        ],
        out_specs=[
            pl.BlockSpec((blk, _D_MODEL), lambda i: (i, _Z)),
            pl.BlockSpec((blk, _D_MODEL), lambda i: (i, _Z)),
        ],
        out_shape=[
            jax.ShapeDtypeStruct((_M, _D_MODEL), jnp.float32),
            jax.ShapeDtypeStruct((_M, _D_MODEL), jnp.float32),
        ],
    )(cnt, sizes, w_attn, b_attn, w_router, b_router)


def kernel(token_ids, set_indices, set_sizes, set_positions,
           W_attn, b_attn, W_router, b_router):
    pos = set_positions.astype(jnp.float32)
    geom = _geom_tc(pos.reshape(_M, 1), pos.reshape(1, _M))

    tok = token_ids.astype(jnp.int32)
    idx_flat = set_indices.astype(jnp.int32).reshape(-1)
    cnt = _hist_sc(tok, idx_flat).reshape(_M, _NUM_BINS)

    sizes = set_sizes.astype(jnp.float32).reshape(_M, 1)
    phi, rout = _feat_tc(cnt, sizes, W_attn.astype(jnp.float32),
                         b_attn.reshape(1, _D_MODEL),
                         W_router.astype(jnp.float32),
                         b_router.reshape(1, _D_MODEL))
    return (phi, rout, geom)

# --- scband reference (transcript-rebuilt; emitter-appended) ---
"""Pipeline reference for scband-hashed-count-feature-builder-90847148245151 (READ-ONLY COPY).

The authoritative reference and input builder live on the scoring server;
editing this copy changes nothing except your own understanding.
"""

import jax, jax.numpy as jnp
import numpy as np

jax.config.update("jax_enable_x64", True)

SEQ = 32768
M = 4096
MAX_SET = 256
NUM_BINS = 128
D_MODEL = 256
HASH_SEED = 13
GAMMA = 1.0
BETA = 0.0


def setup_inputs(seed: int = 0) -> dict:
    key = jax.random.key(seed)
    k1, k2, k3, k4, k5, k6, k7, k8 = jax.random.split(key, 8)
    token_ids = jax.random.randint(k1, (SEQ,), 0, 50000, dtype=jnp.int64)
    set_indices = jax.random.randint(k2, (M, MAX_SET), 0, SEQ, dtype=jnp.int64)
    set_sizes = jax.random.randint(k3, (M,), 0, MAX_SET, dtype=jnp.int64)
    set_positions = jax.random.randint(k4, (M,), 0, SEQ, dtype=jnp.int64)
    W_attn = jax.random.normal(k5, (D_MODEL, NUM_BINS), dtype=jnp.float32) * 0.02
    b_attn = jnp.zeros((D_MODEL,), dtype=jnp.float32)
    W_router = jax.random.normal(k6, (D_MODEL, NUM_BINS), dtype=jnp.float32) * 0.02
    b_router = jnp.zeros((D_MODEL,), dtype=jnp.float32)
    return {
        "token_ids": token_ids,
        "set_indices": set_indices,
        "set_sizes": set_sizes,
        "set_positions": set_positions,
        "W_attn": W_attn,
        "b_attn": b_attn,
        "W_router": W_router,
        "b_router": b_router,
    }


def _hash_ids(tokens):
    return (tokens * 1315423911 + HASH_SEED) % NUM_BINS


def reference(token_ids, set_indices, set_sizes, set_positions, W_attn, b_attn, W_router, b_router):
    # valid mask for padded (-1) slots
    valid = set_indices >= 0
    safe_idx = jnp.where(valid, set_indices, 0)
    tokens = jnp.take(token_ids, safe_idx, axis=0)           # [M, MAX_SET] gather
    bins = _hash_ids(tokens)                                  # [M, MAX_SET]
    row = jnp.broadcast_to(jnp.arange(M)[:, None], bins.shape)
    counts = jnp.zeros((M, NUM_BINS), dtype=jnp.float32)
    counts = counts.at[row.reshape(-1), bins.reshape(-1)].add(
        valid.reshape(-1).astype(jnp.float32)
    )                                                          # scatter-add histogram
    # normalize
    denom = jnp.clip(set_sizes, 1, None).astype(jnp.float32)[:, None]
    counts = counts / denom
    phi_attn = counts @ W_attn.T + b_attn                      # [M, D_MODEL]
    desc_router = counts @ W_router.T + b_router               # [M, D_MODEL]
    # delta_indices: pairwise position deltas
    delta = set_positions[:, None] - set_positions[None, :]    # [M, M]
    # geom_bias_from_delta: linear-in-|delta| bias
    geom_bias = -GAMMA * jnp.abs(delta).astype(jnp.float32) + BETA
    return (phi_attn, desc_router, geom_bias)

if __name__ == "__main__":
    import jax
    _d = setup_inputs()
    print(jax.jit(kernel)(*tuple(_d.values())))

</pallas_src>

<mosaic_0001>
#map = affine_map<(d0, d1) -> (0)>
module attributes {stable_mosaic.version = 14 : i64} {
  func.func @hist(%arg0: i32, %arg1: i32, %arg2: memref<32768xi32, #tpu.memory_space<hbm>>, %arg3: memref<1048576xi32, #tpu.memory_space<hbm>>, %arg4: memref<524288xf32, #tpu.memory_space<hbm>>, %arg5: memref<32768xi32, #tpu.memory_space<vmem>>, %arg6: memref<32768xi32, #tpu.memory_space<vmem>>, %arg7: memref<16384xf32, #tpu.memory_space<vmem>>, %arg8: memref<!tpu.dma_semaphore, #tpu.memory_space<semaphore_mem>>, %arg9: memref<!tpu.dma_semaphore, #tpu.memory_space<semaphore_mem>>) attributes {dimension_semantics = [#tpu.dimension_semantics<core_parallel>, #tpu.dimension_semantics<subcore_parallel>], iteration_bounds = array<i64: 2, 16>, scalar_prefetch = 0 : i64, scratch_operands = 5 : i64, tpu.core_type = #tpu.core_type<sc_vector_subcore>, window_params = [{transform_indices = #map}, {transform_indices = #map}, {transform_indices = #map}]} {
    %mul3A = arith.constant 2 : i32
    %mul3A_0 = arith.muli %arg1, %mul3A : i32
    %add3A = arith.addi %mul3A_0, %arg0 : i32
    %mul3A_1 = arith.constant 32768 : i32
    %mul3A_2 = arith.muli %add3A, %mul3A_1 : i32
    %dma_start3A = tpu.memref_slice %arg3[%mul3A_2] : memref<1048576xi32, #tpu.memory_space<hbm>> -> memref<32768xi32, #tpu.memory_space<hbm>>
    %dma_start3A_3 = tpu.memref_slice %arg3[%mul3A_2] : memref<1048576xi32, #tpu.memory_space<hbm>> -> memref<32768xi32, #tpu.memory_space<hbm>>
    tpu.enqueue_dma source(%dma_start3A_3 : memref<32768xi32, #tpu.memory_space<hbm>>) target(%arg6 : memref<32768xi32, #tpu.memory_space<vmem>>) target_semaphore(%arg9 : memref<!tpu.dma_semaphore, #tpu.memory_space<semaphore_mem>>)
    tpu.enqueue_dma source(%arg2 : memref<32768xi32, #tpu.memory_space<hbm>>) target(%arg5 : memref<32768xi32, #tpu.memory_space<vmem>>) target_semaphore(%arg8 : memref<!tpu.dma_semaphore, #tpu.memory_space<semaphore_mem>>)
    tpu.wait_dma2 semaphore(%arg8 : memref<!tpu.dma_semaphore, #tpu.memory_space<semaphore_mem>>) src(%arg2 : memref<32768xi32, #tpu.memory_space<hbm>>) dst(%arg5 : memref<32768xi32, #tpu.memory_space<vmem>>)
    %parallel_loop3A = arith.constant 0 : i32
    %parallel_loop3A_4 = arith.constant 2048 : i32
    %parallel_loop3A_5 = arith.constant 1 : i32
    scf.for %parallel_loop3A_15 = %parallel_loop3A to %parallel_loop3A_4 step %parallel_loop3A_5  : i32 {
      %parallel_loop3A_16 = arith.constant 16 : i32
      %parallel_loop3A_17 = arith.muli %parallel_loop3A_15, %parallel_loop3A_16 : i32
      %parallel_loop3A_18 = arith.index_cast %parallel_loop3A_17 : i32 to index
      %parallel_loop3A_19 = tpu.vector_load %arg5[%parallel_loop3A_18] {strides = array<i32>} : memref<32768xi32, #tpu.memory_space<vmem>>, vector<16xi32>,
      %parallel_loop3A_20 = arith.constant 1315423911 : i32
      %parallel_loop3A_21 = vector.broadcast %parallel_loop3A_20 : i32 to vector<16xi32>
      %parallel_loop3A_22 = arith.muli %parallel_loop3A_19, %parallel_loop3A_21 : vector<16xi32>
      %parallel_loop3A_23 = arith.constant 13 : i32
      %parallel_loop3A_24 = vector.broadcast %parallel_loop3A_23 : i32 to vector<16xi32>
      %parallel_loop3A_25 = arith.addi %parallel_loop3A_22, %parallel_loop3A_24 : vector<16xi32>
      %parallel_loop3A_26 = arith.constant 127 : i32
      %parallel_loop3A_27 = vector.broadcast %parallel_loop3A_26 : i32 to vector<16xi32>
      %parallel_loop3A_28 = arith.andi %parallel_loop3A_25, %parallel_loop3A_27 : vector<16xi32>
      %parallel_loop3A_29 = arith.index_cast %parallel_loop3A_17 : i32 to index
      %parallel_loop3A_30 = tpu.vector_load %arg5[%parallel_loop3A_29] {strides = array<i32>} : memref<32768xi32, #tpu.memory_space<vmem>>, vector<16xi32>,
      tpu.vector_store %arg5[%parallel_loop3A_29], %parallel_loop3A_28 {strides = array<i32>} : memref<32768xi32, #tpu.memory_space<vmem>>, vector<16xi32>,
    } {sc.loop_unroll_factor = 8 : i64, sc.parallel_access}
    %dma_wait3A = tpu.memref_slice %arg3[%mul3A_2] : memref<1048576xi32, #tpu.memory_space<hbm>> -> memref<32768xi32, #tpu.memory_space<hbm>>
    %dma_wait3A_6 = tpu.memref_slice %arg3[%mul3A_2] : memref<1048576xi32, #tpu.memory_space<hbm>> -> memref<32768xi32, #tpu.memory_space<hbm>>
    tpu.wait_dma2 semaphore(%arg9 : memref<!tpu.dma_semaphore, #tpu.memory_space<semaphore_mem>>) src(%dma_wait3A_6 : memref<32768xi32, #tpu.memory_space<hbm>>) dst(%arg6 : memref<32768xi32, #tpu.memory_space<vmem>>)
    %broadcast_in_dim3A = arith.constant 1.000000e+00 : f32
    %broadcast_in_dim3A_7 = vector.broadcast %broadcast_in_dim3A : f32 to vector<16xf32>
    %broadcast_in_dim3A_8 = arith.constant 0.000000e+00 : f32
    %broadcast_in_dim3A_9 = vector.broadcast %broadcast_in_dim3A_8 : f32 to vector<16xf32>
    %parallel_loop3A_10 = arith.constant 0 : i32
    %parallel_loop3A_11 = arith.constant 128 : i32
    %parallel_loop3A_12 = arith.constant 1 : i32
    scf.for %parallel_loop3A_15 = %parallel_loop3A_10 to %parallel_loop3A_11 step %parallel_loop3A_12  : i32 {
      %parallel_loop3A_16 = arith.constant 128 : i32
      %parallel_loop3A_17 = arith.muli %parallel_loop3A_15, %parallel_loop3A_16 : i32
      %parallel_loop3A_18 = arith.constant 0 : i32
      %parallel_loop3A_19 = arith.addi %parallel_loop3A_17, %parallel_loop3A_18 : i32
      %parallel_loop3A_20 = arith.index_cast %parallel_loop3A_19 : i32 to index
      %parallel_loop3A_21 = tpu.vector_load %arg7[%parallel_loop3A_20] {strides = array<i32>} : memref<16384xf32, #tpu.memory_space<vmem>>, vector<16xf32>,
      tpu.vector_store %arg7[%parallel_loop3A_20], %broadcast_in_dim3A_9 {strides = array<i32>} : memref<16384xf32, #tpu.memory_space<vmem>>, vector<16xf32>,
      %parallel_loop3A_22 = arith.constant 16 : i32
      %parallel_loop3A_23 = arith.addi %parallel_loop3A_17, %parallel_loop3A_22 : i32
      %parallel_loop3A_24 = arith.index_cast %parallel_loop3A_23 : i32 to index
      %parallel_loop3A_25 = tpu.vector_load %arg7[%parallel_loop3A_24] {strides = array<i32>} : memref<16384xf32, #tpu.memory_space<vmem>>, vector<16xf32>,
      tpu.vector_store %arg7[%parallel_loop3A_24], %broadcast_in_dim3A_9 {strides = array<i32>} : memref<16384xf32, #tpu.memory_space<vmem>>, vector<16xf32>,
      %parallel_loop3A_26 = arith.constant 32 : i32
      %parallel_loop3A_27 = arith.addi %parallel_loop3A_17, %parallel_loop3A_26 : i32
      %parallel_loop3A_28 = arith.index_cast %parallel_loop3A_27 : i32 to index
      %parallel_loop3A_29 = tpu.vector_load %arg7[%parallel_loop3A_28] {strides = array<i32>} : memref<16384xf32, #tpu.memory_space<vmem>>, vector<16xf32>,
      tpu.vector_store %arg7[%parallel_loop3A_28], %broadcast_in_dim3A_9 {strides = array<i32>} : memref<16384xf32, #tpu.memory_space<vmem>>, vector<16xf32>,
      %parallel_loop3A_30 = arith.constant 48 : i32
      %parallel_loop3A_31 = arith.addi %parallel_loop3A_17, %parallel_loop3A_30 : i32
      %parallel_loop3A_32 = arith.index_cast %parallel_loop3A_31 : i32 to index
      %parallel_loop3A_33 = tpu.vector_load %arg7[%parallel_loop3A_32] {strides = array<i32>} : memref<16384xf32, #tpu.memory_space<vmem>>, vector<16xf32>,
      tpu.vector_store %arg7[%parallel_loop3A_32], %broadcast_in_dim3A_9 {strides = array<i32>} : memref<16384xf32, #tpu.memory_space<vmem>>, vector<16xf32>,
      %parallel_loop3A_34 = arith.constant 64 : i32
      %parallel_loop3A_35 = arith.addi %parallel_loop3A_17, %parallel_loop3A_34 : i32
      %parallel_loop3A_36 = arith.index_cast %parallel_loop3A_35 : i32 to index
      %parallel_loop3A_37 = tpu.vector_load %arg7[%parallel_loop3A_36] {strides = array<i32>} : memref<16384xf32, #tpu.memory_space<vmem>>, vector<16xf32>,
      tpu.vector_store %arg7[%parallel_loop3A_36], %broadcast_in_dim3A_9 {strides = array<i32>} : memref<16384xf32, #tpu.memory_space<vmem>>, vector<16xf32>,
      %parallel_loop3A_38 = arith.constant 80 : i32
      %parallel_loop3A_39 = arith.addi %parallel_loop3A_17, %parallel_loop3A_38 : i32
      %parallel_loop3A_40 = arith.index_cast %parallel_loop3A_39 : i32 to index
      %parallel_loop3A_41 = tpu.vector_load %arg7[%parallel_loop3A_40] {strides = array<i32>} : memref<16384xf32, #tpu.memory_space<vmem>>, vector<16xf32>,
      tpu.vector_store %arg7[%parallel_loop3A_40], %broadcast_in_dim3A_9 {strides = array<i32>} : memref<16384xf32, #tpu.memory_space<vmem>>, vector<16xf32>,
      %parallel_loop3A_42 = arith.constant 96 : i32
      %parallel_loop3A_43 = arith.addi %parallel_loop3A_17, %parallel_loop3A_42 : i32
      %parallel_loop3A_44 = arith.index_cast %parallel_loop3A_43 : i32 to index
      %parallel_loop3A_45 = tpu.vector_load %arg7[%parallel_loop3A_44] {strides = array<i32>} : memref<16384xf32, #tpu.memory_space<vmem>>, vector<16xf32>,
      tpu.vector_store %arg7[%parallel_loop3A_44], %broadcast_in_dim3A_9 {strides = array<i32>} : memref<16384xf32, #tpu.memory_space<vmem>>, vector<16xf32>,
      %parallel_loop3A_46 = arith.constant 112 : i32
      %parallel_loop3A_47 = arith.addi %parallel_loop3A_17, %parallel_loop3A_46 : i32
      %parallel_loop3A_48 = arith.index_cast %parallel_loop3A_47 : i32 to index
      %parallel_loop3A_49 = tpu.vector_load %arg7[%parallel_loop3A_48] {strides = array<i32>} : memref<16384xf32, #tpu.memory_space<vmem>>, vector<16xf32>,
      tpu.vector_store %arg7[%parallel_loop3A_48], %broadcast_in_dim3A_9 {strides = array<i32>} : memref<16384xf32, #tpu.memory_space<vmem>>, vector<16xf32>,
      %parallel_loop3A_50 = arith.constant 256 : i32
      %parallel_loop3A_51 = arith.muli %parallel_loop3A_15, %parallel_loop3A_50 : i32
      %parallel_loop3A_52 = arith.constant 0 : i32
      %parallel_loop3A_53 = arith.addi %parallel_loop3A_51, %parallel_loop3A_52 : i32
      %parallel_loop3A_54 = arith.index_cast %parallel_loop3A_53 : i32 to index
      %parallel_loop3A_55 = tpu.vector_load %arg6[%parallel_loop3A_54] {strides = array<i32>} : memref<32768xi32, #tpu.memory_space<vmem>>, vector<16xi32>,
      %parallel_loop3A_56 = tpu.vector_load_idx %arg5[%parallel_loop3A_55] : memref<32768xi32, #tpu.memory_space<vmem>>[vector<16xi32>], vector<16xi32>,
      %parallel_loop3A_57 = vector.broadcast %parallel_loop3A_17 : i32 to vector<16xi32>
      %parallel_loop3A_58 = arith.addi %parallel_loop3A_57, %parallel_loop3A_56 : vector<16xi32>
      tpu.vector_store_idx %arg7[%parallel_loop3A_58], %broadcast_in_dim3A_7 {add = true} : memref<16384xf32, #tpu.memory_space<vmem>>[vector<16xi32>], vector<16xf32>,
      %parallel_loop3A_59 = arith.constant 16 : i32
      %parallel_loop3A_60 = arith.addi %parallel_loop3A_51, %parallel_loop3A_59 : i32
      %parallel_loop3A_61 = arith.index_cast %parallel_loop3A_60 : i32 to index
      %parallel_loop3A_62 = tpu.vector_load %arg6[%parallel_loop3A_61] {strides = array<i32>} : memref<32768xi32, #tpu.memory_space<vmem>>, vector<16xi32>,
      %parallel_loop3A_63 = tpu.vector_load_idx %arg5[%parallel_loop3A_62] : memref<32768xi32, #tpu.memory_space<vmem>>[vector<16xi32>], vector<16xi32>,
      %parallel_loop3A_64 = vector.broadcast %parallel_loop3A_17 : i32 to vector<16xi32>
      %parallel_loop3A_65 = arith.addi %parallel_loop3A_64, %parallel_loop3A_63 : vector<16xi32>
      tpu.vector_store_idx %arg7[%parallel_loop3A_65], %broadcast_in_dim3A_7 {add = true} : memref<16384xf32, #tpu.memory_space<vmem>>[vector<16xi32>], vector<16xf32>,
      %parallel_loop3A_66 = arith.constant 32 : i32
      %parallel_loop3A_67 = arith.addi %parallel_loop3A_51, %parallel_loop3A_66 : i32
      %parallel_loop3A_68 = arith.index_cast %parallel_loop3A_67 : i32 to index
      %parallel_loop3A_69 = tpu.vector_load %arg6[%parallel_loop3A_68] {strides = array<i32>} : memref<32768xi32, #tpu.memory_space<vmem>>, vector<16xi32>,
      %parallel_loop3A_70 = tpu.vector_load_idx %arg5[%parallel_loop3A_69] : memref<32768xi32, #tpu.memory_space<vmem>>[vector<16xi32>], vector<16xi32>,
      %parallel_loop3A_71 = vector.broadcast %parallel_loop3A_17 : i32 to vector<16xi32>
      %parallel_loop3A_72 = arith.addi %parallel_loop3A_71, %parallel_loop3A_70 : vector<16xi32>
      tpu.vector_store_idx %arg7[%parallel_loop3A_72], %broadcast_in_dim3A_7 {add = true} : memref<16384xf32, #tpu.memory_space<vmem>>[vector<16xi32>], vector<16xf32>,
      %parallel_loop3A_73 = arith.constant 48 : i32
      %parallel_loop3A_74 = arith.addi %parallel_loop3A_51, %parallel_loop3A_73 : i32
      %parallel_loop3A_75 = arith.index_cast %parallel_loop3A_74 : i32 to index
      %parallel_loop3A_76 = tpu.vector_load %arg6[%parallel_loop3A_75] {strides = array<i32>} : memref<32768xi32, #tpu.memory_space<vmem>>, vector<16xi32>,
      %parallel_loop3A_77 = tpu.vector_load_idx %arg5[%parallel_loop3A_76] : memref<32768xi32, #tpu.memory_space<vmem>>[vector<16xi32>], vector<16xi32>,
      %parallel_loop3A_78 = vector.broadcast %parallel_loop3A_17 : i32 to vector<16xi32>
      %parallel_loop3A_79 = arith.addi %parallel_loop3A_78, %parallel_loop3A_77 : vector<16xi32>
      tpu.vector_store_idx %arg7[%parallel_loop3A_79], %broadcast_in_dim3A_7 {add = true} : memref<16384xf32, #tpu.memory_space<vmem>>[vector<16xi32>], vector<16xf32>,
      %parallel_loop3A_80 = arith.constant 64 : i32
      %parallel_loop3A_81 = arith.addi %parallel_loop3A_51, %parallel_loop3A_80 : i32
      %parallel_loop3A_82 = arith.index_cast %parallel_loop3A_81 : i32 to index
      %parallel_loop3A_83 = tpu.vector_load %arg6[%parallel_loop3A_82] {strides = array<i32>} : memref<32768xi32, #tpu.memory_space<vmem>>, vector<16xi32>,
      %parallel_loop3A_84 = tpu.vector_load_idx %arg5[%parallel_loop3A_83] : memref<32768xi32, #tpu.memory_space<vmem>>[vector<16xi32>], vector<16xi32>,
      %parallel_loop3A_85 = vector.broadcast %parallel_loop3A_17 : i32 to vector<16xi32>
      %parallel_loop3A_86 = arith.addi %parallel_loop3A_85, %parallel_loop3A_84 : vector<16xi32>
      tpu.vector_store_idx %arg7[%parallel_loop3A_86], %broadcast_in_dim3A_7 {add = true} : memref<16384xf32, #tpu.memory_space<vmem>>[vector<16xi32>], vector<16xf32>,
      %parallel_loop3A_87 = arith.constant 80 : i32
      %parallel_loop3A_88 = arith.addi %parallel_loop3A_51, %parallel_loop3A_87 : i32
      %parallel_loop3A_89 = arith.index_cast %parallel_loop3A_88 : i32 to index
      %parallel_loop3A_90 = tpu.vector_load %arg6[%parallel_loop3A_89] {strides = array<i32>} : memref<32768xi32, #tpu.memory_space<vmem>>, vector<16xi32>,
      %parallel_loop3A_91 = tpu.vector_load_idx %arg5[%parallel_loop3A_90] : memref<32768xi32, #tpu.memory_space<vmem>>[vector<16xi32>], vector<16xi32>,
      %parallel_loop3A_92 = vector.broadcast %parallel_loop3A_17 : i32 to vector<16xi32>
      %parallel_loop3A_93 = arith.addi %parallel_loop3A_92, %parallel_loop3A_91 : vector<16xi32>
      tpu.vector_store_idx %arg7[%parallel_loop3A_93], %broadcast_in_dim3A_7 {add = true} : memref<16384xf32, #tpu.memory_space<vmem>>[vector<16xi32>], vector<16xf32>,
      %parallel_loop3A_94 = arith.constant 96 : i32
      %parallel_loop3A_95 = arith.addi %parallel_loop3A_51, %parallel_loop3A_94 : i32
      %parallel_loop3A_96 = arith.index_cast %parallel_loop3A_95 : i32 to index
      %parallel_loop3A_97 = tpu.vector_load %arg6[%parallel_loop3A_96] {strides = array<i32>} : memref<32768xi32, #tpu.memory_space<vmem>>, vector<16xi32>,
      %parallel_loop3A_98 = tpu.vector_load_idx %arg5[%parallel_loop3A_97] : memref<32768xi32, #tpu.memory_space<vmem>>[vector<16xi32>], vector<16xi32>,
      %parallel_loop3A_99 = vector.broadcast %parallel_loop3A_17 : i32 to vector<16xi32>
      %parallel_loop3A_100 = arith.addi %parallel_loop3A_99, %parallel_loop3A_98 : vector<16xi32>
      tpu.vector_store_idx %arg7[%parallel_loop3A_100], %broadcast_in_dim3A_7 {add = true} : memref<16384xf32, #tpu.memory_space<vmem>>[vector<16xi32>], vector<16xf32>,
      %parallel_loop3A_101 = arith.constant 112 : i32
      %parallel_loop3A_102 = arith.addi %parallel_loop3A_51, %parallel_loop3A_101 : i32
      %parallel_loop3A_103 = arith.index_cast %parallel_loop3A_102 : i32 to index
      %parallel_loop3A_104 = tpu.vector_load %arg6[%parallel_loop3A_103] {strides = array<i32>} : memref<32768xi32, #tpu.memory_space<vmem>>, vector<16xi32>,
      %parallel_loop3A_105 = tpu.vector_load_idx %arg5[%parallel_loop3A_104] : memref<32768xi32, #tpu.memory_space<vmem>>[vector<16xi32>], vector<16xi32>,
      %parallel_loop3A_106 = vector.broadcast %parallel_loop3A_17 : i32 to vector<16xi32>
      %parallel_loop3A_107 = arith.addi %parallel_loop3A_106, %parallel_loop3A_105 : vector<16xi32>
      tpu.vector_store_idx %arg7[%parallel_loop3A_107], %broadcast_in_dim3A_7 {add = true} : memref<16384xf32, #tpu.memory_space<vmem>>[vector<16xi32>], vector<16xf32>,
      %parallel_loop3A_108 = arith.constant 128 : i32
      %parallel_loop3A_109 = arith.addi %parallel_loop3A_51, %parallel_loop3A_108 : i32
      %parallel_loop3A_110 = arith.index_cast %parallel_loop3A_109 : i32 to index
      %parallel_loop3A_111 = tpu.vector_load %arg6[%parallel_loop3A_110] {strides = array<i32>} : memref<32768xi32, #tpu.memory_space<vmem>>, vector<16xi32>,
      %parallel_loop3A_112 = tpu.vector_load_idx %arg5[%parallel_loop3A_111] : memref<32768xi32, #tpu.memory_space<vmem>>[vector<16xi32>], vector<16xi32>,
      %parallel_loop3A_113 = vector.broadcast %parallel_loop3A_17 : i32 to vector<16xi32>
      %parallel_loop3A_114 = arith.addi %parallel_loop3A_113, %parallel_loop3A_112 : vector<16xi32>
      tpu.vector_store_idx %arg7[%parallel_loop3A_114], %broadcast_in_dim3A_7 {add = true} : memref<16384xf32, #tpu.memory_space<vmem>>[vector<16xi32>], vector<16xf32>,
      %parallel_loop3A_115 = arith.constant 144 : i32
      %parallel_loop3A_116 = arith.addi %parallel_loop3A_51, %parallel_loop3A_115 : i32
      %parallel_loop3A_117 = arith.index_cast %parallel_loop3A_116 : i32 to index
      %parallel_loop3A_118 = tpu.vector_load %arg6[%parallel_loop3A_117] {strides = array<i32>} : memref<32768xi32, #tpu.memory_space<vmem>>, vector<16xi32>,
      %parallel_loop3A_119 = tpu.vector_load_idx %arg5[%parallel_loop3A_118] : memref<32768xi32, #tpu.memory_space<vmem>>[vector<16xi32>], vector<16xi32>,
      %parallel_loop3A_120 = vector.broadcast %parallel_loop3A_17 : i32 to vector<16xi32>
      %parallel_loop3A_121 = arith.addi %parallel_loop3A_120, %parallel_loop3A_119 : vector<16xi32>
      tpu.vector_store_idx %arg7[%parallel_loop3A_121], %broadcast_in_dim3A_7 {add = true} : memref<16384xf32, #tpu.memory_space<vmem>>[vector<16xi32>], vector<16xf32>,
      %parallel_loop3A_122 = arith.constant 160 : i32
      %parallel_loop3A_123 = arith.addi %parallel_loop3A_51, %parallel_loop3A_122 : i32
      %parallel_loop3A_124 = arith.index_cast %parallel_loop3A_123 : i32 to index
      %parallel_loop3A_125 = tpu.vector_load %arg6[%parallel_loop3A_124] {strides = array<i32>} : memref<32768xi32, #tpu.memory_space<vmem>>, vector<16xi32>,
      %parallel_loop3A_126 = tpu.vector_load_idx %arg5[%parallel_loop3A_125] : memref<32768xi32, #tpu.memory_space<vmem>>[vector<16xi32>], vector<16xi32>,
      %parallel_loop3A_127 = vector.broadcast %parallel_loop3A_17 : i32 to vector<16xi32>
      %parallel_loop3A_128 = arith.addi %parallel_loop3A_127, %parallel_loop3A_126 : vector<16xi32>
      tpu.vector_store_idx %arg7[%parallel_loop3A_128], %broadcast_in_dim3A_7 {add = true} : memref<16384xf32, #tpu.memory_space<vmem>>[vector<16xi32>], vector<16xf32>,
      %parallel_loop3A_129 = arith.constant 176 : i32
      %parallel_loop3A_130 = arith.addi %parallel_loop3A_51, %parallel_loop3A_129 : i32
      %parallel_loop3A_131 = arith.index_cast %parallel_loop3A_130 : i32 to index
      %parallel_loop3A_132 = tpu.vector_load %arg6[%parallel_loop3A_131] {strides = array<i32>} : memref<32768xi32, #tpu.memory_space<vmem>>, vector<16xi32>,
      %parallel_loop3A_133 = tpu.vector_load_idx %arg5[%parallel_loop3A_132] : memref<32768xi32, #tpu.memory_space<vmem>>[vector<16xi32>], vector<16xi32>,
      %parallel_loop3A_134 = vector.broadcast %parallel_loop3A_17 : i32 to vector<16xi32>
      %parallel_loop3A_135 = arith.addi %parallel_loop3A_134, %parallel_loop3A_133 : vector<16xi32>
      tpu.vector_store_idx %arg7[%parallel_loop3A_135], %broadcast_in_dim3A_7 {add = true} : memref<16384xf32, #tpu.memory_space<vmem>>[vector<16xi32>], vector<16xf32>,
      %parallel_loop3A_136 = arith.constant 192 : i32
      %parallel_loop3A_137 = arith.addi %parallel_loop3A_51, %parallel_loop3A_136 : i32
      %parallel_loop3A_138 = arith.index_cast %parallel_loop3A_137 : i32 to index
      %parallel_loop3A_139 = tpu.vector_load %arg6[%parallel_loop3A_138] {strides = array<i32>} : memref<32768xi32, #tpu.memory_space<vmem>>, vector<16xi32>,
      %parallel_loop3A_140 = tpu.vector_load_idx %arg5[%parallel_loop3A_139] : memref<32768xi32, #tpu.memory_space<vmem>>[vector<16xi32>], vector<16xi32>,
      %parallel_loop3A_141 = vector.broadcast %parallel_loop3A_17 : i32 to vector<16xi32>
      %parallel_loop3A_142 = arith.addi %parallel_loop3A_141, %parallel_loop3A_140 : vector<16xi32>
      tpu.vector_store_idx %arg7[%parallel_loop3A_142], %broadcast_in_dim3A_7 {add = true} : memref<16384xf32, #tpu.memory_space<vmem>>[vector<16xi32>], vector<16xf32>,
      %parallel_loop3A_143 = arith.constant 208 : i32
      %parallel_loop3A_144 = arith.addi %parallel_loop3A_51, %parallel_loop3A_143 : i32
      %parallel_loop3A_145 = arith.index_cast %parallel_loop3A_144 : i32 to index
      %parallel_loop3A_146 = tpu.vector_load %arg6[%parallel_loop3A_145] {strides = array<i32>} : memref<32768xi32, #tpu.memory_space<vmem>>, vector<16xi32>,
      %parallel_loop3A_147 = tpu.vector_load_idx %arg5[%parallel_loop3A_146] : memref<32768xi32, #tpu.memory_space<vmem>>[vector<16xi32>], vector<16xi32>,
      %parallel_loop3A_148 = vector.broadcast %parallel_loop3A_17 : i32 to vector<16xi32>
      %parallel_loop3A_149 = arith.addi %parallel_loop3A_148, %parallel_loop3A_147 : vector<16xi32>
      tpu.vector_store_idx %arg7[%parallel_loop3A_149], %broadcast_in_dim3A_7 {add = true} : memref<16384xf32, #tpu.memory_space<vmem>>[vector<16xi32>], vector<16xf32>,
      %parallel_loop3A_150 = arith.constant 224 : i32
      %parallel_loop3A_151 = arith.addi %parallel_loop3A_51, %parallel_loop3A_150 : i32
      %parallel_loop3A_152 = arith.index_cast %parallel_loop3A_151 : i32 to index
      %parallel_loop3A_153 = tpu.vector_load %arg6[%parallel_loop3A_152] {strides = array<i32>} : memref<32768xi32, #tpu.memory_space<vmem>>, vector<16xi32>,
      %parallel_loop3A_154 = tpu.vector_load_idx %arg5[%parallel_loop3A_153] : memref<32768xi32, #tpu.memory_space<vmem>>[vector<16xi32>], vector<16xi32>,
      %parallel_loop3A_155 = vector.broadcast %parallel_loop3A_17 : i32 to vector<16xi32>
      %parallel_loop3A_156 = arith.addi %parallel_loop3A_155, %parallel_loop3A_154 : vector<16xi32>
      tpu.vector_store_idx %arg7[%parallel_loop3A_156], %broadcast_in_dim3A_7 {add = true} : memref<16384xf32, #tpu.memory_space<vmem>>[vector<16xi32>], vector<16xf32>,
      %parallel_loop3A_157 = arith.constant 240 : i32
      %parallel_loop3A_158 = arith.addi %parallel_loop3A_51, %parallel_loop3A_157 : i32
      %parallel_loop3A_159 = arith.index_cast %parallel_loop3A_158 : i32 to index
      %parallel_loop3A_160 = tpu.vector_load %arg6[%parallel_loop3A_159] {strides = array<i32>} : memref<32768xi32, #tpu.memory_space<vmem>>, vector<16xi32>,
      %parallel_loop3A_161 = tpu.vector_load_idx %arg5[%parallel_loop3A_160] : memref<32768xi32, #tpu.memory_space<vmem>>[vector<16xi32>], vector<16xi32>,
      %parallel_loop3A_162 = vector.broadcast %parallel_loop3A_17 : i32 to vector<16xi32>
      %parallel_loop3A_163 = arith.addi %parallel_loop3A_162, %parallel_loop3A_161 : vector<16xi32>
      tpu.vector_store_idx %arg7[%parallel_loop3A_163], %broadcast_in_dim3A_7 {add = true} : memref<16384xf32, #tpu.memory_space<vmem>>[vector<16xi32>], vector<16xf32>,
    } {sc.loop_unroll_factor = 4 : i64, sc.parallel_access}
    %mul3A_13 = arith.constant 16384 : i32
    %mul3A_14 = arith.muli %add3A, %mul3A_13 : i32
    "tpu.region"() ({
      %run_scoped3A = tpu.sem_alloc : memref<!tpu.dma_semaphore, #tpu.memory_space<semaphore_mem>>
      %dma_start3A_15 = tpu.memref_slice %arg4[%mul3A_14] : memref<524288xf32, #tpu.memory_space<hbm>> -> memref<16384xf32, #tpu.memory_space<hbm>>
      %dma_start3A_16 = tpu.memref_slice %arg4[%mul3A_14] : memref<524288xf32, #tpu.memory_space<hbm>> -> memref<16384xf32, #tpu.memory_space<hbm>>
      tpu.enqueue_dma source(%arg7 : memref<16384xf32, #tpu.memory_space<vmem>>) target(%dma_start3A_16 : memref<16384xf32, #tpu.memory_space<hbm>>) target_semaphore(%run_scoped3A : memref<!tpu.dma_semaphore, #tpu.memory_space<semaphore_mem>>)
      %dma_wait3A_17 = tpu.memref_slice %arg4[%mul3A_14] : memref<524288xf32, #tpu.memory_space<hbm>> -> memref<16384xf32, #tpu.memory_space<hbm>>
      %dma_wait3A_18 = tpu.memref_slice %arg4[%mul3A_14] : memref<524288xf32, #tpu.memory_space<hbm>> -> memref<16384xf32, #tpu.memory_space<hbm>>
      tpu.wait_dma2 semaphore(%run_scoped3A : memref<!tpu.dma_semaphore, #tpu.memory_space<semaphore_mem>>) src(%arg7 : memref<16384xf32, #tpu.memory_space<vmem>>) dst(%dma_wait3A_18 : memref<16384xf32, #tpu.memory_space<hbm>>)
      tpu.yield
    }) : () -> ()
    return
  }
}

module attributes {stable_mosaic.version = 14 : i64} {
  func.func @_geom_body(%arg0: i32, %arg1: memref<256x1xf32, #tpu.memory_space<vmem>>, %arg2: memref<1x4096xf32, #tpu.memory_space<vmem>>, %arg3: memref<256x4096xf32, #tpu.memory_space<vmem>>) attributes {dimension_semantics = [#tpu.dimension_semantics<arbitrary>], iteration_bounds = array<i64: 16>, scalar_prefetch = 0 : i64, scratch_operands = 0 : i64, tpu.core_type = #tpu.core_type<tc>, window_params = [{transform_indices = @transform_0, window_bounds = array<i64: 256, 1>}, {pipeline_mode = #tpu.pipeline_mode<synchronous>, transform_indices = @transform_1, window_bounds = array<i64: 1, 4096>}, {transform_indices = @transform_2, window_bounds = array<i64: 256, 4096>}]} {
    %get3A = arith.constant 0 : index
    %get3A_0 = arith.constant 0 : index
    %get3A_1 = vector.load %arg1[%get3A, %get3A_0] : memref<256x1xf32, #tpu.memory_space<vmem>>, vector<256x1xf32>
    %get3A_2 = arith.constant 0 : index
    %get3A_3 = arith.constant 0 : index
    %get3A_4 = vector.load %arg2[%get3A_2, %get3A_3] : memref<1x4096xf32, #tpu.memory_space<vmem>>, vector<1x4096xf32>
    %sub3A = vector.broadcast %get3A_1 : vector<256x1xf32> to vector<256x4096xf32>
    %sub3A_5 = vector.broadcast %get3A_4 : vector<1x4096xf32> to vector<256x4096xf32>
    %sub3A_6 = arith.subf %sub3A, %sub3A_5 : vector<256x4096xf32>
    %abs3A = math.absf %sub3A_6 : vector<256x4096xf32>
    %mul3A = arith.constant -1.000000e+00 : f32
    %mul3A_7 = vector.broadcast %mul3A : f32 to vector<256x4096xf32>
    %mul3A_8 = arith.mulf %mul3A_7, %abs3A : vector<256x4096xf32>
    %add3A = arith.constant 0.000000e+00 : f32
    %add3A_9 = vector.broadcast %add3A : f32 to vector<256x4096xf32>
    %add3A_10 = arith.addf %mul3A_8, %add3A_9 : vector<256x4096xf32>
    %swap3A = arith.constant 0 : index
    %swap3A_11 = arith.constant 0 : index
    %swap3A_12 = vector.load %arg3[%swap3A, %swap3A_11] : memref<256x4096xf32, #tpu.memory_space<vmem>>, vector<256x4096xf32>
    tpu.vector_store %arg3[%swap3A, %swap3A_11], %add3A_10 {strides = array<i32>} : memref<256x4096xf32, #tpu.memory_space<vmem>>, vector<256x4096xf32>,
    return
  }
  func.func @transform_0(%arg0: i32) -> (i32, i32) {
    %c0_i32 = arith.constant 0 : i32
    %c0_i32_0 = arith.constant 0 : i32
    return %arg0, %c0_i32 : i32, i32
  }
  func.func @transform_1(%arg0: i32) -> (i32, i32) {
    %c0_i32 = arith.constant 0 : i32
    %c0_i32_0 = arith.constant 0 : i32
    %c0_i32_1 = arith.constant 0 : i32
    return %c0_i32, %c0_i32_0 : i32, i32
  }
  func.func @transform_2(%arg0: i32) -> (i32, i32) {
    %c0_i32 = arith.constant 0 : i32
    %c0_i32_0 = arith.constant 0 : i32
    return %arg0, %c0_i32 : i32, i32
  }
}

module attributes {stable_mosaic.version = 14 : i64} {
  func.func @_feat_body(%arg0: i32, %arg1: memref<4096x128xf32, #tpu.memory_space<vmem>>, %arg2: memref<4096x1xf32, #tpu.memory_space<vmem>>, %arg3: memref<256x128xf32, #tpu.memory_space<vmem>>, %arg4: memref<1x256xf32, #tpu.memory_space<vmem>>, %arg5: memref<256x128xf32, #tpu.memory_space<vmem>>, %arg6: memref<1x256xf32, #tpu.memory_space<vmem>>, %arg7: memref<4096x256xf32, #tpu.memory_space<vmem>>, %arg8: memref<4096x256xf32, #tpu.memory_space<vmem>>) attributes {dimension_semantics = [#tpu.dimension_semantics<arbitrary>], iteration_bounds = array<i64: 1>, scalar_prefetch = 0 : i64, scratch_operands = 0 : i64, tpu.core_type = #tpu.core_type<tc>, window_params = [{transform_indices = @transform_0, window_bounds = array<i64: 4096, 128>}, {transform_indices = @transform_1, window_bounds = array<i64: 4096, 1>}, {pipeline_mode = #tpu.pipeline_mode<synchronous>, transform_indices = @transform_2, window_bounds = array<i64: 256, 128>}, {pipeline_mode = #tpu.pipeline_mode<synchronous>, transform_indices = @transform_3, window_bounds = array<i64: 1, 256>}, {pipeline_mode = #tpu.pipeline_mode<synchronous>, transform_indices = @transform_4, window_bounds = array<i64: 256, 128>}, {pipeline_mode = #tpu.pipeline_mode<synchronous>, transform_indices = @transform_5, window_bounds = array<i64: 1, 256>}, {transform_indices = @transform_6, window_bounds = array<i64: 4096, 256>}, {transform_indices = @transform_7, window_bounds = array<i64: 4096, 256>}]} {
    %get3A = arith.constant 0 : index
    %get3A_0 = arith.constant 0 : index
    %get3A_1 = vector.load %arg2[%get3A, %get3A_0] : memref<4096x1xf32, #tpu.memory_space<vmem>>, vector<4096x1xf32>
    %max3A = arith.constant 1.000000e+00 : f32
    %max3A_2 = vector.broadcast %max3A : f32 to vector<4096x1xf32>
    %max3A_3 = arith.maximumf %get3A_1, %max3A_2 : vector<4096x1xf32>
    %get3A_4 = arith.constant 0 : index
    %get3A_5 = arith.constant 0 : index
    %get3A_6 = vector.load %arg1[%get3A_4, %get3A_5] : memref<4096x128xf32, #tpu.memory_space<vmem>>, vector<4096x128xf32>
    %div3A = vector.broadcast %max3A_3 : vector<4096x1xf32> to vector<4096x128xf32>
    %div3A_7 = arith.divf %get3A_6, %div3A : vector<4096x128xf32>
    %get3A_8 = arith.constant 0 : index
    %get3A_9 = arith.constant 0 : index
    %get3A_10 = vector.load %arg3[%get3A_8, %get3A_9] : memref<256x128xf32, #tpu.memory_space<vmem>>, vector<256x128xf32>
    %dot_general3A = arith.constant dense<0.000000e+00> : vector<4096x256xf32>
    %dot_general3A_11 = tpu.matmul %div3A_7, %get3A_10, %dot_general3A {dimension_numbers = #tpu.dot_dimension_numbers<[1], [1], [0], [0], [0, 0, 1, 0], [], []>, transpose_lhs_hint = false} : vector<4096x128xf32>, vector<256x128xf32>, vector<4096x256xf32> -> vector<4096x256xf32>
    %get3A_12 = arith.constant 0 : index
    %get3A_13 = arith.constant 0 : index
    %get3A_14 = vector.load %arg4[%get3A_12, %get3A_13] : memref<1x256xf32, #tpu.memory_space<vmem>>, vector<1x256xf32>
    %add3A = vector.broadcast %get3A_14 : vector<1x256xf32> to vector<4096x256xf32>
    %add3A_15 = arith.addf %dot_general3A_11, %add3A : vector<4096x256xf32>
    %swap3A = arith.constant 0 : index
    %swap3A_16 = arith.constant 0 : index
    %swap3A_17 = vector.load %arg7[%swap3A, %swap3A_16] : memref<4096x256xf32, #tpu.memory_space<vmem>>, vector<4096x256xf32>
    tpu.vector_store %arg7[%swap3A, %swap3A_16], %add3A_15 {strides = array<i32>} : memref<4096x256xf32, #tpu.memory_space<vmem>>, vector<4096x256xf32>,
    %get3A_18 = arith.constant 0 : index
    %get3A_19 = arith.constant 0 : index
    %get3A_20 = vector.load %arg5[%get3A_18, %get3A_19] : memref<256x128xf32, #tpu.memory_space<vmem>>, vector<256x128xf32>
    %dot_general3A_21 = arith.constant dense<0.000000e+00> : vector<4096x256xf32>
    %dot_general3A_22 = tpu.matmul %div3A_7, %get3A_20, %dot_general3A_21 {dimension_numbers = #tpu.dot_dimension_numbers<[1], [1], [0], [0], [0, 0, 1, 0], [], []>, transpose_lhs_hint = false} : vector<4096x128xf32>, vector<256x128xf32>, vector<4096x256xf32> -> vector<4096x256xf32>
    %get3A_23 = arith.constant 0 : index
    %get3A_24 = arith.constant 0 : index
    %get3A_25 = vector.load %arg6[%get3A_23, %get3A_24] : memref<1x256xf32, #tpu.memory_space<vmem>>, vector<1x256xf32>
    %add3A_26 = vector.broadcast %get3A_25 : vector<1x256xf32> to vector<4096x256xf32>
    %add3A_27 = arith.addf %dot_general3A_22, %add3A_26 : vector<4096x256xf32>
    %swap3A_28 = arith.constant 0 : index
    %swap3A_29 = arith.constant 0 : index
    %swap3A_30 = vector.load %arg8[%swap3A_28, %swap3A_29] : memref<4096x256xf32, #tpu.memory_space<vmem>>, vector<4096x256xf32>
    tpu.vector_store %arg8[%swap3A_28, %swap3A_29], %add3A_27 {strides = array<i32>} : memref<4096x256xf32, #tpu.memory_space<vmem>>, vector<4096x256xf32>,
    return
  }
  func.func @transform_0(%arg0: i32) -> (i32, i32) {
    %c0_i32 = arith.constant 0 : i32
    %c0_i32_0 = arith.constant 0 : i32
    return %arg0, %c0_i32 : i32, i32
  }
  func.func @transform_1(%arg0: i32) -> (i32, i32) {
    %c0_i32 = arith.constant 0 : i32
    %c0_i32_0 = arith.constant 0 : i32
    return %arg0, %c0_i32 : i32, i32
  }
  func.func @transform_2(%arg0: i32) -> (i32, i32) {
    %c0_i32 = arith.constant 0 : i32
    %c0_i32_0 = arith.constant 0 : i32
    %c0_i32_1 = arith.constant 0 : i32
    return %c0_i32, %c0_i32_0 : i32, i32
  }
  func.func @transform_3(%arg0: i32) -> (i32, i32) {
    %c0_i32 = arith.constant 0 : i32
    %c0_i32_0 = arith.constant 0 : i32
    %c0_i32_1 = arith.constant 0 : i32
    return %c0_i32, %c0_i32_0 : i32, i32
  }
  func.func @transform_4(%arg0: i32) -> (i32, i32) {
    %c0_i32 = arith.constant 0 : i32
    %c0_i32_0 = arith.constant 0 : i32
    %c0_i32_1 = arith.constant 0 : i32
    return %c0_i32, %c0_i32_0 : i32, i32
  }
  func.func @transform_5(%arg0: i32) -> (i32, i32) {
    %c0_i32 = arith.constant 0 : i32
    %c0_i32_0 = arith.constant 0 : i32
    %c0_i32_1 = arith.constant 0 : i32
    return %c0_i32, %c0_i32_0 : i32, i32
  }
  func.func @transform_6(%arg0: i32) -> (i32, i32) {
    %c0_i32 = arith.constant 0 : i32
    %c0_i32_0 = arith.constant 0 : i32
    return %arg0, %c0_i32 : i32, i32
  }
  func.func @transform_7(%arg0: i32) -> (i32, i32) {
    %c0_i32 = arith.constant 0 : i32
    %c0_i32_0 = arith.constant 0 : i32
    return %arg0, %c0_i32 : i32, i32
  }
}

</mosaic_0001>

<sc_bundles>
// kernel: kernel.5.cloned.1.call-start
scs
__scs_entry_jumppad:
0x0: {  	(pc) =	sbr.rel $0x88, $3  }
0x1: {  	(tag) =	ssettag $0x0;
	lr =	simm.s32 $0x1  }
0x2: {  	[smem:$0x3F99] =	sst lr;
	_ =	strace $0xD0000000  }
0x3: {  	_ = 	snop  }
0x4: {  	_ = 	snop  }
0x5: {  	_ = 	snop  }
0x6: {  	_ = 	snop  }
0x7: {  	_ = 	snop  }
__scs_overlays_trampoline_lowered:
0x8: {  	[smem:$0x3FA8] =	sst s0  }
0x9: {  	[smem:$0x3FA9] =	sst s1  }
0xa: {  	[smem:$0x3FAA] =	sst s2  }
0xb: {  	[smem:$0x3FAB] =	sst s3  }
0xc: {  	[smem:$0x3FAC] =	sst s4  }
0xd: {  	[smem:$0x3FAD] =	sst s5  }
0xe: {  	[smem:$0x3FAE] =	sst s6  }
0xf: {  	[smem:$0x3FAF] =	sst s7  }
0x10: {  	[smem:$0x3FB0] =	sst s8  }
0x11: {  	[smem:$0x3FB1] =	sst s9;
	s0 =	simm.s32 @!p0 $0x0  }
0x12: {  	s1 =	sld [smem:$0x3F97];
	s0 =	simm.s32 @p0 $0x1  }
0x13: {  	[smem:$0x3FB2] =	sst s0;
	s0 =	simm.s32 @!p1 $0x0  }
0x14: {  	s2 =	sld [smem:$0x3F96];
	s0 =	simm.s32 @p1 $0x1  }
0x15: {  	[smem:$0x3FB3] =	sst s0;
	s0 =	simm.s32 @!p2 $0x0  }
0x16: {  	s3 =	sld [smem:$0x3FDB];
	s0 =	simm.s32 @p2 $0x1  }
0x17: {  	s4 =	simm.s32 $0x1BF5;
	[smem:$0x3FB5] =	sst s0  }
0x18: {  	s0 =	sld [smem:$0x3F98];
	_ =	swait.ge [sflag:s4], $0x0  }
0x19: {  	s7 =	sld [smem:$0x3F99]  }
0x1a: {  	s8 =	sadd.s32 $0xFFFFE003, lr  }
0x1b: {  	s9 =	sadd.s32 $0xFFFFFEF7, lr;
	s5 =	simm.s32 $0xFFFFFFFF;
	p2 =	slt.u32 s8, $0xFFFFF086  }
0x1c: {  	p1 =	slt.u32 s9, $0xF7A;
	s5 =	simm.s32 @!p2 $0x0  }
0x1d: {  	s5 =	simm.s32 @p1 $0x1;
	p0 =	seq.s32 s7, s2  }
0x1e: {  	s7 =	smul.u32 @!p0 $0xF7A, s2;
	p2 =	seq.s32 @!p0 s5, $0x0  }
0x1f: {  	s9 =	smul.u32 $0xF7A, s1;
	s8 =	simm.s32 @!p0 $0x1BF5;
	p2 =	por !p2, p0  }
0x20: {  	[sflag:s8] =	ssyncset.s32 @!p0 $0xFFFFF086;
	s6 =	sadd.s32 @!p0 s3, s7;
	s7 =	simm.s32 @!p0 $0x108  }
0x21: {  	s3 =	sadd.s32 s3, s9;
	s6 =	sadd.s32 @!p0 $0x88, s6;
	s7 =	simm.s32 @p2 $0x1082  }
0x22: {  	[simem:s7], [sflag:s8] =	dma.local @!p0 [hbm:s6], $0xF7A  }
0x23: {  	s9 =	sor.u32 $0xD0000000, s2;
	s6 =	simm.s32 $0x108;
	_ =	swait.ge @!p0 [sflag:s8], $0x0  }
0x24: {  	s3 =	sadd.s32 $0x88, s3;
	s6 =	simm.s32 @!p1 $0x1082;
	[sflag:s4] =	ssyncset.s32 $0xFFFFF086  }
0x25: {  	[simem:s6], [sflag:s4] =	dma.local [hbm:s3], $0xF7A  }
0x26: {  	[smem:$0x3F99] =	sst s1;
	(tag) =	ssettag s2;
	_ =	strace s9  }
0x27: {  	s1 =	sld [smem:$0x3FA9]  }
0x28: {  	s2 =	sld [smem:$0x3FAA]  }
0x29: {  	s4 =	sld [smem:$0x3FAC]  }
0x2a: {  	p0 =	seq.s32 s5, $0x0;
	s5 =	sld [smem:$0x3FAD]  }
0x2b: {  	s6 =	sld [smem:$0x3FAE]  }
0x2c: {  	s7 =	sld [smem:$0x3FAF]  }
0x2d: {  	s3 =	simm.s32 $0x108;
	s8 =	sld [smem:$0x3FB0]  }
0x2e: {  	s3 =	simm.s32 @!p0 $0x1082;
	s9 =	sld [smem:$0x3FB1]  }
0x2f: {  	lr =	sadd.s32 s0, s3;
	s0 =	sld [smem:$0x3FA8]  }
0x30: {  	s3 =	sld [smem:$0x3FAB]  }
0x31: {  	[smem:$0x3FB4] =	sst s10  }
0x32: {  	s10 =	sld [smem:$0x3FB2];
	_ =	sdelay $0x3  }
0x33: {  	p0 =	seq.s32 s10, $0x1;
	s10 =	sld [smem:$0x3FB4];
	_ =	sdelay $0x3  }
0x34: {  	[smem:$0x3FB4] =	sst s10  }
0x35: {  	s10 =	sld [smem:$0x3FB3];
	_ =	sdelay $0x3  }
0x36: {  	p1 =	seq.s32 s10, $0x1;
	s10 =	sld [smem:$0x3FB4];
	_ =	sdelay $0x3  }
0x37: {  	[smem:$0x3FB4] =	sst s10  }
0x38: {  	s10 =	sld [smem:$0x3FB5]  }
0x39: {  	_ = 	snop;
	(pc) =	sbr.ind lr, $3  }
0x3a: {  	_ = 	snop  }
0x3b: {  	_ = 	snop  }
0x3c: {  	p2 =	seq.s32 s10, $0x1;
	s10 =	sld [smem:$0x3FB4]  }
0x3d: {  	_ =	shalt  }
0x3e: {  	_ =	shalt  }
0x3f: {  	_ =	shalt  }
0x40: {  	_ =	shalt  }
0x41: {  	_ =	shalt  }
0x42: {  	_ =	shalt  }
0x43: {  	_ =	shalt  }
0x44: {  	_ =	shalt  }
0x45: {  	_ =	shalt  }
0x46: {  	_ =	shalt  }
0x47: {  	_ =	shalt  }
0x48: {  	_ =	shalt  }
0x49: {  	_ =	shalt  }
0x4a: {  	_ =	shalt  }
0x4b: {  	_ =	shalt  }
0x4c: {  	_ =	shalt  }
0x4d: {  	_ =	shalt  }
0x4e: {  	_ =	shalt  }
0x4f: {  	_ =	shalt  }
0x50: {  	_ =	shalt  }
0x51: {  	_ =	shalt  }
0x52: {  	_ =	shalt  }
0x53: {  	_ =	shalt  }
0x54: {  	_ =	shalt  }
0x55: {  	_ =	shalt  }
0x56: {  	_ =	shalt  }
0x57: {  	_ =	shalt  }
0x58: {  	_ =	shalt  }
0x59: {  	_ =	shalt  }
0x5a: {  	_ =	shalt  }
0x5b: {  	_ =	shalt  }
0x5c: {  	_ =	shalt  }
0x5d: {  	_ =	shalt  }
0x5e: {  	_ =	shalt  }
0x5f: {  	_ =	shalt  }
0x60: {  	_ =	shalt  }
0x61: {  	_ =	shalt  }
0x62: {  	_ =	shalt  }
0x63: {  	_ =	shalt  }
0x64: {  	_ =	shalt  }
0x65: {  	_ =	shalt  }
0x66: {  	_ =	shalt  }
0x67: {  	_ =	shalt  }
0x68: {  	_ =	shalt  }
0x69: {  	_ =	shalt  }
0x6a: {  	_ =	shalt  }
0x6b: {  	_ =	shalt  }
0x6c: {  	_ =	shalt  }
0x6d: {  	_ =	shalt  }
0x6e: {  	_ =	shalt  }
0x6f: {  	_ =	shalt  }
0x70: {  	_ =	shalt  }
0x71: {  	_ =	shalt  }
0x72: {  	_ =	shalt  }
0x73: {  	_ =	shalt  }
0x74: {  	_ =	shalt  }
0x75: {  	_ =	shalt  }
0x76: {  	_ =	shalt  }
0x77: {  	_ =	shalt  }
0x78: {  	_ =	shalt  }
0x79: {  	_ =	shalt  }
0x7a: {  	_ =	shalt  }
0x7b: {  	_ =	shalt  }
0x7c: {  	_ =	shalt  }
0x7d: {  	_ =	shalt  }
0x7e: {  	_ =	shalt  }
0x7f: {  	_ =	shalt  }
0x80: {  	_ =	shalt  }
0x81: {  	_ =	shalt  }
0x82: {  	_ =	shalt  }
0x83: {  	_ =	shalt  }
0x84: {  	_ =	shalt  }
0x85: {  	_ =	shalt  }
0x86: {  	_ =	shalt  }
0x87: {  	_ =	shalt  }
.Lfunc_end0:
.L_simem_size_0:
called_computation_lowered:
.L_overlay_start_0:
0x88: {  	s2 =	sld [smem:$0x3FD9]  }
0x89: {  	s3 =	sld [smem:$0x3FFE];
	_ =	sdelay $0x1  }
0x8a: {  	s1 =	srdreg.scid  }
0x8b: {  	s0 =	sand.u32 $0x1, s1  }
0x8c: {  	s14 =	sshll.u32 s0, $0xA;
	s2 =	sadd.s32 s3, s2  }
0x8d: {  	s2 =	sadd.s32 s2, s14  }
0x8e: {  	[smem:$0x3FC0] =	sst s2  }
0x8f: {  	_ = 	snop  }
0x90: {  	s2 =	sld [smem:$0x3FD0];
	_ =	sdelay $0x2  }
0x91: {  	s15 =	simm.s32 $0xA;
	s4 =	simm.s32 $0x10  }
0x92: {  	[smem:s4], [sflag:s15] =	dma.local [hbm:s2], $0x1  }
0x93: {  	_ =	swait.eq [sflag:s15], $0x1  }
0x94: {  	[sflag:s15] =	ssyncset.done $0x0  }
0x95: {  	s16 =	sld [smem:$0x10];
	[sflag:s15] =	ssyncadd.s32 $0xFFFFFFFF  }
0x96: {  	s17 =	sld [smem:$0x11];
	(tm) =	ssettm $0x1  }
0x97: {  	s18 =	sld [smem:$0x3FFB];
	_ =	sdelay $0x3  }
0x98: {  	_ =	strace s18  }
0x99: {  	s4 =	sld [smem:$0x3FFC];
	_ =	sdelay $0x3  }
0x9a: {  	_ =	strace s4  }
0x9b: {  	s4 =	sld [smem:$0x3FFD];
	_ =	sdelay $0x3  }
0x9c: {  	_ =	strace s4  }
0x9d: {  	_ =	strace $0x8FFFFFFF  }
0x9e: {  	s19 =	sld [smem:$0x3FDB];
	_ =	sdelay $0x1  }
0x9f: {  	s5 =	simm.s32 $_scs_section_size  }
0xa0: {  	s6 =	simm.s32 $_size__tile_overlayer_lowered;
	s7 =	simm.s32 $_tile_overlayer_lowered  }
0xa1: {  	s22 =	simm.s32 $0x1BFF;
	s21 =	sshll.u32 s7, $0x1;
	s4 =	sadd.s32 s5, s19  }
0xa2: {  	s8 =	simm.s32 $0x0;
	s20 =	sshll.u32 s6, $0x1;
	s6 =	sadd.s32 s21, s4  }
0xa3: {  	[timem:s8], [sflag:s22] =	dma.local [hbm:s6], s20  }
0xa4: {  	_ =	swait.ge [sflag:s22], s20  }
0xa5: {  	s5 =	ssub.s32 $0x0, s20;
	[sflag:s22] =	ssyncset.done $0x0  }
0xa6: {  	[sflag:s22] =	ssyncadd.s32 s5;
	_ =	sdelay $0x1  }
0xa7: {  	s23 =	simm.s32 $0x1B8B  }
0xa8: {  	_ =	swait.ge [sflag:s23], $0x1  }
0xa9: {  	[sflag:s23] =	ssyncset.done $0x0  }
0xaa: {  	s25 =	simm.s32 $0x1B8E;
	s24 =	sld [smem:$0x3FFE];
	[sflag:s23] =	ssyncadd.s32 $0xFFFFFFFF  }
0xab: {  	s26 =	simm.s32 $execute0_lowered;
	[smem:$0x3FD2] =	sst s25  }
0xac: {  	s6 =	sshll.u32 s26, $0x1;
	_ =	strace $0x80000046;
	[dreg:$0x1] =	wrdreg $0xFFFFFFFF  }
0xad: {  	s28 =	simm.s32 $_size_execute0_lowered;
	s4 =	sadd.s32 s4, s6;
	[dreg:$0x0] =	wrdreg $0x0  }
0xae: {  	s6 =	sshll.u32 s28, $0x1;
	[dreg:$0x2] =	wrdreg s4  }
0xaf: {  	[dreg:$0x3] =	wrdreg s6  }
0xb0: {  	[dreg:$0x4] =	wrdreg $0xC0  }
0xb1: {  	_ =	task [dreg:s8], $0x5FFFF  }
0xb2: {  	[dreg:$0x1] =	wrdreg $0xFFFFFFFF  }
0xb3: {  	[dreg:$0x0] =	wrdreg $0x60  }
0xb4: {  	[dreg:$0x2] =	wrdreg s24  }
0xb5: {  	[dreg:$0x3] =	wrdreg s17  }
0xb6: {  	[dreg:$0x4] =	wrdreg s16  }
0xb7: {  	[dreg:$0x5] =	wrdreg $0x9  }
0xb8: {  	_ =	task.clear_ibuf [dreg:s8], $0x6FFFF;
	_ =	strace $0x90000046  }
0xb9: {  	s29 =	simm.s32 $0x9;
	_ =	strace $0x80000048  }
0xba: {  	_ =	swait.ge [sflag:s29], $0x1  }
0xbb: {  	[sflag:s29] =	ssyncadd.s32 $0xFFFFFFFF  }
0xbc: {  	_ =	strace $0x90000048  }
0xbd: {  	_ =	sfence  }
0xbe: {  	s30 =	sld [smem:$0x0];
	_ =	sdelay $0x2  }
0xbf: {  	s31 =	sshll.u32 s1, $0xD;
	s1 =	sshrl.u32 s1, $0x2  }
0xc0: {  	s3 =	sand.u32 $0x4000, s31;
	s1 =	sadd.s32 s1, s30  }
0xc1: {  	s0 =	sor.u32 s3, s0;
	s1 =	sshll.u32 s1, $0x11  }
0xc2: {  	s0 =	sor.u32 s1, s0  }
0xc3: {  	s0 =	sadd.s32 $0x8F2B, s0  }
0xc4: {  	[sflag:s0] =	ssyncadd.remote.s32 $0x1  }
0xc5: {  	_ =	sfence.sel $0xFFFF  }
0xc6: {  	[dreg:$0x0] =	wrdreg $0xFFFFFFFF;
	(pc) =	sbr.abs _section_cstart, $3  }
0xc7: {  	[dreg:$0x1] =	wrdreg $0xFFFFFFFF  }
0xc8: {  	_ =	task.clear_ibuf [dreg:s8], $0x2FFFF;
	_ =	strace $0x9FFFFFFF  }
0xc9: {  	(tm) =	ssettm $0x7FFFFFFF  }
tec
execute0_lowered:
.L_overlay_start_1:
0x0: {  	(tag) =	ssettag $0x1  }
0x1: {  	s3 =	rddreg [dreg:$0x0]  }
0x2: {  	s4 =	rddreg [dreg:$0x1]  }
0x3: {  	s5 =	rddreg [dreg:$0x2]  }
0x4: {  	s0 =	rddreg [dreg:$0x3];
	s2 =	simm.s32 $0x0;
	s6 =	srdreg.scid  }
0x5: {  	s1 =	stileid.u32;
	s10 =	simm.s32 $0x10000;
	s11 =	simm.s32 $0x3  }
0x6: {  	s12 =	simm.s32 $0x0;
	[smem:$0x7FF] =	sst s2;
	s6 =	sand.u32 $0x1, s6  }
0x7: {  	s8 =	sshll.u32 s1, $0x1;
	s3 =	sadd.s32 $0x1000, s3;
	s7 =	ssub.s32 $0x2, s6  }
0x8: {  	_ =	strace $0x80000047;
	s6 =	sor.u32 s6, s8;
	s9 =	sshrl.u32 s7, $0x1  }
0x9: {  	s8 =	sshll.u32 s6, $0xC;
	s6 =	sshll.u32 s6, $0xB;
	s7 =	ssub.s32 s7, s9  }
0xa: {  	s4 =	sadd.s32 s4, s8;
	s5 =	sadd.s32 s5, s6;
	s8 =	simm.s32 $0x1  }
0xb: {  	v0 =	vimm.f32 $0.0e+00;
	v1 =	vimm.f32 $1.000000000e+00;
	s9 =	simm.s32 $0x2;
	s6 =	smax.u32 s7, $0x1;
	s7 =	simm.s32 $0x8000  }
.LBB2_1:
0xc: {  	[tilespmem:s7], [sflag:$0x2] =	stream.linear.gather [hbm4b:s4+s2], $0x8000, $0x38;
	[tilespmem:$0x14000] =	vst v63  }
0xd: {  	_ = 	snop  }
0xe: {  	[tilespmem:s2], [sflag:$0x1] =	stream.linear.gather [hbm4b:s3+s2], $0x8000, $0x38;
	[tilespmem:$0x14000] =	vst v63  }
0xf: {  	_ =	swait.ge [sflag:s8], $0x8000  }
0x10: {  	[sflag:s8] =	ssyncset.done $0x0  }
0x11: {  	s14 =	simm.s32 $0x40;
	[sflag:s8] =	ssyncadd.s32 $0xFFFF8000  }
0x12: {  	v2 =	vld [tilespmem:s14+$0x30]  }
0x13: {  	v3 =	vld [tilespmem:s14+$0xFFFFFFD0]  }
0x14: {  	v4 =	vld [tilespmem:s14+$0xFFFFFFE0]  }
0x15: {  	v6 =	vld [tilespmem:s14+$0x0]  }
0x16: {  	v5 =	vld [tilespmem:s14+$0xFFFFFFF0];
	_ =	sdelay $0x1  }
0x17: {  	v7 =	vld [tilespmem:s14+$0x10];
	v2 =	vmul.u32 $0x27, v2  }
0x18: {  	v8 =	vld [tilespmem:s14+$0x20];
	v3 =	vmul.u32 $0x27, v3  }
0x19: {  	s13 =	simm.s32 $0xC0;
	v9 =	vld [tilespmem:s14+$0xFFFFFFC0];
	v4 =	vmul.u32 $0x27, v4;
	v6 =	vmul.u32 $0x27, v6;
	v2 =	vadd.s32 $0xD, v2  }
0x1a: {  	v10 =	vld [tilespmem:s13+$0x30];
	v5 =	vmul.u32 $0x27, v5;
	v3 =	vadd.s32 $0xD, v3;
	v2 =	vand.u32 $0x7F, v2  }
0x1b: {  	v11 =	vld [tilespmem:s13+$0xFFFFFFD0];
	v4 =	vadd.s32 $0xD, v4;
	v6 =	vadd.s32 $0xD, v6;
	v3 =	vand.u32 $0x7F, v3;
	[tilespmem:s14+$0x30] =	vst v2  }
0x1c: {  	v12 =	vld [tilespmem:s13+$0xFFFFFFE0];
	v6 =	vand.u32 $0x7F, v6;
	[tilespmem:s14+$0xFFFFFFD0] =	vst v3;
	v2 =	vand.u32 $0x7F, v4;
	v4 =	vmul.u32 $0x27, v7  }
0x1d: {  	v3 =	vadd.s32 $0xD, v5;
	v5 =	vld [tilespmem:s13+$0xFFFFFFF0];
	v7 =	vmul.u32 $0x27, v8;
	[tilespmem:s14+$0x0] =	vst v6  }
0x1e: {  	v9 =	vmul.u32 $0x27, v9;
	[tilespmem:s14+$0xFFFFFFE0] =	vst v2;
	v2 =	vand.u32 $0x7F, v3;
	v3 =	vld [tilespmem:s13+$0x0];
	v4 =	vadd.s32 $0xD, v4  }
0x1f: {  	v10 =	vmul.u32 $0x27, v10;
	[tilespmem:s14+$0xFFFFFFF0] =	vst v2;
	v2 =	vld [tilespmem:s13+$0x10];
	v7 =	vadd.s32 $0xD, v7;
	v6 =	vand.u32 $0x7F, v4  }
0x20: {  	v8 =	vmul.u32 $0x27, v11;
	v11 =	vadd.s32 $0xD, v9;
	v4 =	vld [tilespmem:s13+$0x20];
	v13 =	vand.u32 $0x7F, v7;
	[tilespmem:s14+$0x10] =	vst v6  }
0x21: {  	s15 =	simm.s32 $0x8;
	s16 =	simm.s32 $0x140;
	v9 =	vadd.s32 $0xD, v10;
	v10 =	vand.u32 $0x7F, v11;
	v7 =	vmul.u32 $0x27, v12;
	v6 =	vld [tilespmem:s13+$0xFFFFFFC0];
	[tilespmem:s14+$0x20] =	vst v13  }
.LBB2_2:
0x22: {  	v11 =	vld [tilespmem:s16+$0x30];
	s15 =	sadd.s32 $0x8, s15;
	v8 =	vadd.s32 $0xD, v8;
	v5 =	vmul.u32 $0x27, v5;
	v9 =	vand.u32 $0x7F, v9;
	[tilespmem:s14+$0xFFFFFFC0] =	vst v10;
	s14 =	smov.u32 s13;
	s13 =	smov.u32 s16  }
0x23: {  	v10 =	vld [tilespmem:s16+$0xFFFFFFD0];
	p0 =	slt.u32 s15, $0x7F8;
	v8 =	vand.u32 $0x7F, v8;
	v7 =	vadd.s32 $0xD, v7;
	v3 =	vmul.u32 $0x27, v3;
	[tilespmem:s14+$0x30] =	vst v9  }
0x24: {  	v9 =	vld [tilespmem:s16+$0xFFFFFFE0];
	[tilespmem:s14+$0xFFFFFFD0] =	vst v8;
	v7 =	vand.u32 $0x7F, v7;
	v8 =	vadd.s32 $0xD, v5;
	v2 =	vmul.u32 $0x27, v2  }
.Ltmp0:
0x25: {  	v5 =	vld [tilespmem:s16+$0xFFFFFFF0];
	[tilespmem:s14+$0xFFFFFFE0] =	vst v7;
	v7 =	vand.u32 $0x7F, v8;
	v8 =	vadd.s32 $0xD, v3;
	v4 =	vmul.u32 $0x27, v4;
	(pc) =	sbr.rel @p0 .LBB2_2-.Ltmp0, $4  }
0x26: {  	v3 =	vld [tilespmem:s16+$0x0];
	v6 =	vmul.u32 $0x27, v6;
	[tilespmem:s14+$0xFFFFFFF0] =	vst v7;
	v7 =	vand.u32 $0x7F, v8;
	v8 =	vadd.s32 $0xD, v2  }
0x27: {  	v2 =	vld [tilespmem:s16+$0x10];
	v11 =	vmul.u32 $0x27, v11;
	[tilespmem:s14+$0x0] =	vst v7;
	v7 =	vand.u32 $0x7F, v8;
	v12 =	vadd.s32 $0xD, v4  }
0x28: {  	v8 =	vmul.u32 $0x27, v10;
	v4 =	vld [tilespmem:s16+$0x20];
	v10 =	vadd.s32 $0xD, v6;
	[tilespmem:s14+$0x10] =	vst v7;
	v12 =	vand.u32 $0x7F, v12  }
0x29: {  	s16 =	sadd.s32 $0x80, s16;
	v6 =	vld [tilespmem:s13+$0xFFFFFFC0];
	v7 =	vmul.u32 $0x27, v9;
	v9 =	vadd.s32 $0xD, v11;
	v10 =	vand.u32 $0x7F, v10;
	[tilespmem:s14+$0x20] =	vst v12  }
0x2a: {  	v8 =	vadd.s32 $0xD, v8;
	v5 =	vmul.u32 $0x27, v5;
	v9 =	vand.u32 $0x7F, v9;
	[tilespmem:s14+$0xFFFFFFC0] =	vst v10  }
0x2b: {  	v8 =	vand.u32 $0x7F, v8;
	v7 =	vadd.s32 $0xD, v7;
	v3 =	vmul.u32 $0x27, v3;
	[tilespmem:s13+$0x30] =	vst v9  }
0x2c: {  	[tilespmem:s13+$0xFFFFFFD0] =	vst v8;
	v7 =	vand.u32 $0x7F, v7;
	v5 =	vadd.s32 $0xD, v5;
	v2 =	vmul.u32 $0x27, v2  }
0x2d: {  	[tilespmem:s13+$0xFFFFFFE0] =	vst v7;
	v5 =	vand.u32 $0x7F, v5;
	v3 =	vadd.s32 $0xD, v3;
	v4 =	vmul.u32 $0x27, v4  }
0x2e: {  	v6 =	vmul.u32 $0x27, v6;
	[tilespmem:s13+$0xFFFFFFF0] =	vst v5;
	v3 =	vand.u32 $0x7F, v3;
	v2 =	vadd.s32 $0xD, v2  }
0x2f: {  	[tilespmem:s13+$0x0] =	vst v3;
	v2 =	vand.u32 $0x7F, v2;
	v3 =	vadd.s32 $0xD, v4  }
0x30: {  	v4 =	vadd.s32 $0xD, v6;
	[tilespmem:s13+$0x10] =	vst v2;
	v2 =	vand.u32 $0x7F, v3  }
0x31: {  	v3 =	vand.u32 $0x7F, v4;
	[tilespmem:s13+$0x20] =	vst v2  }
0x32: {  	[tilespmem:s13+$0xFFFFFFC0] =	vst v3  }
0x33: {  	_ =	swait.ge [sflag:s9], $0x8000  }
0x34: {  	[sflag:s9] =	ssyncset.done $0x0  }
0x35: {  	s31 =	simm.s32 $0x10100;
	[sflag:s9] =	ssyncadd.s32 $0xFFFF8000  }
0x36: {  	[tilespmem:s31+$0x80] =	vst v0  }
0x37: {  	[tilespmem:s31+$0x90] =	vst v0  }
0x38: {  	[tilespmem:s31+$0xA0] =	vst v0  }
0x39: {  	[tilespmem:s31+$0xB0] =	vst v0  }
0x3a: {  	[tilespmem:s31+$0xC0] =	vst v0  }
0x3b: {  	[tilespmem:s31+$0xD0] =	vst v0  }
0x3c: {  	[tilespmem:s31+$0xE0] =	vst v0  }
0x3d: {  	s13 =	simm.s32 $0x8200;
	[tilespmem:s31+$0xF0] =	vst v0  }
0x3e: {  	v2 =	vld [tilespmem:s13+$0x100];
	_ =	sdelay $0x7  }
0x3f: {  	[tilespmem:s31+$0xFFFFFF10] =	vst v0;
	v2 =	vld.idx.msk [tilespmem:v2+s2+$0x0], $0xffff  }
0x40: {  	[tilespmem:s31+$0xFFFFFF20] =	vst v0  }
0x41: {  	[tilespmem:s31+$0xFFFFFF30] =	vst v0  }
0x42: {  	[tilespmem:s31+$0xFFFFFF40] =	vst v0  }
0x43: {  	s22 =	simm.s32 $0x180;
	[tilespmem:s31+$0xFFFFFF50] =	vst v0  }
0x44: {  	[tilespmem:s31+$0xFFFFFF60] =	vst v0;
	v2 =	vadd.s32 s22, v2  }
0x45: {  	[tilespmem:s31+$0xFFFFFF80] =	vst v0  }
0x46: {  	[tilespmem:s31+$0xFFFFFF90] =	vst v0  }
0x47: {  	[tilespmem:s31+$0xFFFFFFA0] =	vst v0  }
0x48: {  	[tilespmem:s31+$0xFFFFFFB0] =	vst v0  }
0x49: {  	[tilespmem:v2+s10+$0x0] =	vst.idx.add.f32.msk $0xffff, v1  }
0x4a: {  	[tilespmem:s31+$0xFFFFFFC0] =	vst v0;
	v2 =	vld [tilespmem:s13+$0x110]  }
0x4b: {  	[tilespmem:s31+$0xFFFFFFD0] =	vst v0  }
0x4c: {  	[tilespmem:s31+$0xFFFFFFE0] =	vst v0  }
0x4d: {  	[tilespmem:s31+$0xFFFFFFF0] =	vst v0  }
0x4e: {  	[tilespmem:s31+$0x0] =	vst v0  }
0x4f: {  	[tilespmem:s31+$0x10] =	vst v0  }
0x50: {  	[tilespmem:s31+$0x20] =	vst v0  }
0x51: {  	[tilespmem:s31+$0x30] =	vst v0;
	v4 =	vld [tilespmem:s13+$0xFFFFFF00]  }
0x52: {  	[tilespmem:s31+$0x40] =	vst v0;
	v2 =	vld.idx.msk [tilespmem:v2+s2+$0x0], $0xffff  }
0x53: {  	[tilespmem:s31+$0x50] =	vst v0  }
0x54: {  	[tilespmem:s31+$0x60] =	vst v0  }
0x55: {  	[tilespmem:s31+$0x70] =	vst v0  }
0x56: {  	[tilespmem:s31+$0xFFFFFF70] =	vst v0;
	v5 =	vld [tilespmem:s13+$0x0]  }
0x57: {  	[tilespmem:s31+$0xFFFFFF00] =	vst v0;
	v2 =	vadd.s32 s22, v2  }
0x58: {  	v3 =	vld [tilespmem:s13+$0xFFFFFE00]  }
0x59: {  	v4 =	vld.idx.msk [tilespmem:v4+s2+$0x0], $0xffff;
	_ =	sdelay $0x2  }
0x5a: {  	[tilespmem:v2+s10+$0x0] =	vst.idx.add.f32.msk $0xffff, v1  }
0x5b: {  	s15 =	simm.s32 $0x80;
	v2 =	vld [tilespmem:s13+$0x120]  }
0x5c: {  	v5 =	vld.idx.msk [tilespmem:v5+s2+$0x0], $0xffff;
	v4 =	vadd.s32 s15, v4;
	_ =	sdelay $0x1  }
0x5d: {  	v3 =	vld.idx.msk [tilespmem:v3+s2+$0x0], $0xffff;
	_ =	sdelay $0x1  }
0x5e: {  	s16 =	simm.s32 $0x100  }
0x5f: {  	v5 =	vadd.s32 s16, v5;
	[tilespmem:v4+s10+$0x0] =	vst.idx.add.f32.msk $0xffff, v1  }
0x60: {  	s14 =	simm.s32 $0x0;
	v4 =	vld [tilespmem:s13+$0xFFFFFF10]  }
0x61: {  	v3 =	vadd.s32 s14, v3;
	v2 =	vld.idx.msk [tilespmem:v2+s2+$0x0], $0xffff;
	_ =	sdelay $0x2  }
0x62: {  	[tilespmem:v5+s10+$0x0] =	vst.idx.add.f32.msk $0xffff, v1  }
0x63: {  	v5 =	vld [tilespmem:s13+$0x10]  }
0x64: {  	[tilespmem:v3+s10+$0x0] =	vst.idx.add.f32.msk $0xffff, v1;
	v2 =	vadd.s32 s22, v2  }
0x65: {  	v3 =	vld [tilespmem:s13+$0xFFFFFE10]  }
0x66: {  	v4 =	vld.idx.msk [tilespmem:v4+s2+$0x0], $0xffff;
	_ =	sdelay $0x2  }
0x67: {  	[tilespmem:v2+s10+$0x0] =	vst.idx.add.f32.msk $0xffff, v1  }
0x68: {  	v2 =	vld [tilespmem:s13+$0x130]  }
0x69: {  	v5 =	vld.idx.msk [tilespmem:v5+s2+$0x0], $0xffff;
	v4 =	vadd.s32 s15, v4;
	_ =	sdelay $0x1  }
0x6a: {  	v3 =	vld.idx.msk [tilespmem:v3+s2+$0x0], $0xffff;
	_ =	sdelay $0x2  }
0x6b: {  	v5 =	vadd.s32 s16, v5;
	[tilespmem:v4+s10+$0x0] =	vst.idx.add.f32.msk $0xffff, v1  }
0x6c: {  	v4 =	vld [tilespmem:s13+$0xFFFFFF20]  }
0x6d: {  	v3 =	vadd.s32 s14, v3;
	v2 =	vld.idx.msk [tilespmem:v2+s2+$0x0], $0xffff;
	_ =	sdelay $0x2  }
0x6e: {  	[tilespmem:v5+s10+$0x0] =	vst.idx.add.f32.msk $0xffff, v1  }
0x6f: {  	v5 =	vld [tilespmem:s13+$0x20]  }
0x70: {  	[tilespmem:v3+s10+$0x0] =	vst.idx.add.f32.msk $0xffff, v1;
	v2 =	vadd.s32 s22, v2  }
0x71: {  	v3 =	vld [tilespmem:s13+$0xFFFFFE20]  }
0x72: {  	v4 =	vld.idx.msk [tilespmem:v4+s2+$0x0], $0xffff;
	_ =	sdelay $0x2  }
0x73: {  	[tilespmem:v2+s10+$0x0] =	vst.idx.add.f32.msk $0xffff, v1  }
0x74: {  	v2 =	vld [tilespmem:s13+$0x140]  }
0x75: {  	v5 =	vld.idx.msk [tilespmem:v5+s2+$0x0], $0xffff;
	v4 =	vadd.s32 s15, v4;
	_ =	sdelay $0x1  }
0x76: {  	v3 =	vld.idx.msk [tilespmem:v3+s2+$0x0], $0xffff;
	_ =	sdelay $0x2  }
0x77: {  	v5 =	vadd.s32 s16, v5;
	[tilespmem:v4+s10+$0x0] =	vst.idx.add.f32.msk $0xffff, v1  }
0x78: {  	v4 =	vld [tilespmem:s13+$0xFFFFFF30]  }
0x79: {  	v3 =	vadd.s32 s14, v3;
	v2 =	vld.idx.msk [tilespmem:v2+s2+$0x0], $0xffff;
	_ =	sdelay $0x2  }
0x7a: {  	[tilespmem:v5+s10+$0x0] =	vst.idx.add.f32.msk $0xffff, v1  }
0x7b: {  	v5 =	vld [tilespmem:s13+$0x30]  }
0x7c: {  	[tilespmem:v3+s10+$0x0] =	vst.idx.add.f32.msk $0xffff, v1;
	v2 =	vadd.s32 s22, v2  }
0x7d: {  	v3 =	vld [tilespmem:s13+$0xFFFFFE30]  }
0x7e: {  	v4 =	vld.idx.msk [tilespmem:v4+s2+$0x0], $0xffff;
	_ =	sdelay $0x2  }
0x7f: {  	[tilespmem:v2+s10+$0x0] =	vst.idx.add.f32.msk $0xffff, v1  }
0x80: {  	v2 =	vld [tilespmem:s13+$0x150]  }
0x81: {  	v5 =	vld.idx.msk [tilespmem:v5+s2+$0x0], $0xffff;
	v4 =	vadd.s32 s15, v4;
	_ =	sdelay $0x1  }
0x82: {  	v3 =	vld.idx.msk [tilespmem:v3+s2+$0x0], $0xffff;
	_ =	sdelay $0x2  }
0x83: {  	v5 =	vadd.s32 s16, v5;
	[tilespmem:v4+s10+$0x0] =	vst.idx.add.f32.msk $0xffff, v1  }
0x84: {  	v4 =	vld [tilespmem:s13+$0xFFFFFF40]  }
0x85: {  	v3 =	vadd.s32 s14, v3;
	v2 =	vld.idx.msk [tilespmem:v2+s2+$0x0], $0xffff;
	_ =	sdelay $0x2  }
0x86: {  	[tilespmem:v5+s10+$0x0] =	vst.idx.add.f32.msk $0xffff, v1  }
0x87: {  	v5 =	vld [tilespmem:s13+$0x40]  }
0x88: {  	[tilespmem:v3+s10+$0x0] =	vst.idx.add.f32.msk $0xffff, v1;
	v2 =	vadd.s32 s22, v2  }
0x89: {  	v3 =	vld [tilespmem:s13+$0xFFFFFE40]  }
0x8a: {  	v4 =	vld.idx.msk [tilespmem:v4+s2+$0x0], $0xffff;
	_ =	sdelay $0x2  }
0x8b: {  	[tilespmem:v2+s10+$0x0] =	vst.idx.add.f32.msk $0xffff, v1  }
0x8c: {  	v2 =	vld [tilespmem:s13+$0x160]  }
0x8d: {  	v5 =	vld.idx.msk [tilespmem:v5+s2+$0x0], $0xffff;
	v4 =	vadd.s32 s15, v4;
	_ =	sdelay $0x2  }
0x8e: {  	v3 =	vld.idx.msk [tilespmem:v3+s2+$0x0], $0xffff;
	_ =	sdelay $0x1  }
0x8f: {  	v5 =	vadd.s32 s16, v5;
	[tilespmem:v4+s10+$0x0] =	vst.idx.add.f32.msk $0xffff, v1  }
0x90: {  	v4 =	vld [tilespmem:s13+$0xFFFFFF50]  }
0x91: {  	v2 =	vld.idx.msk [tilespmem:v2+s2+$0x0], $0xffff  }
0x92: {  	v3 =	vadd.s32 s14, v3;
	_ =	sdelay $0x1  }
0x93: {  	[tilespmem:v5+s10+$0x0] =	vst.idx.add.f32.msk $0xffff, v1  }
0x94: {  	v5 =	vld [tilespmem:s13+$0x50]  }
0x95: {  	v2 =	vadd.s32 s22, v2  }
0x96: {  	[tilespmem:v3+s10+$0x0] =	vst.idx.add.f32.msk $0xffff, v1  }
0x97: {  	v3 =	vld [tilespmem:s13+$0xFFFFFE50]  }
0x98: {  	v4 =	vld.idx.msk [tilespmem:v4+s2+$0x0], $0xffff;
	_ =	sdelay $0x1  }
0x99: {  	[tilespmem:v2+s10+$0x0] =	vst.idx.add.f32.msk $0xffff, v1  }
0x9a: {  	v2 =	vld [tilespmem:s13+$0x170]  }
0x9b: {  	v5 =	vld.idx.msk [tilespmem:v5+s2+$0x0], $0xffff  }
0x9c: {  	v4 =	vadd.s32 s15, v4;
	_ =	sdelay $0x2  }
0x9d: {  	v3 =	vld.idx.msk [tilespmem:v3+s2+$0x0], $0xffff  }
0x9e: {  	v5 =	vadd.s32 s16, v5  }
0x9f: {  	[tilespmem:v4+s10+$0x0] =	vst.idx.add.f32.msk $0xffff, v1  }
0xa0: {  	v2 =	vld.idx.msk [tilespmem:v2+s2+$0x0], $0xffff  }
0xa1: {  	v4 =	vld [tilespmem:s13+$0xFFFFFF60]  }
0xa2: {  	v3 =	vadd.s32 s14, v3  }
0xa3: {  	[tilespmem:v5+s10+$0x0] =	vst.idx.add.f32.msk $0xffff, v1  }
0xa4: {  	v5 =	vld [tilespmem:s13+$0x60]  }
0xa5: {  	v2 =	vadd.s32 s22, v2;
	_ =	sdelay $0x1  }
0xa6: {  	[tilespmem:v3+s10+$0x0] =	vst.idx.add.f32.msk $0xffff, v1  }
0xa7: {  	v3 =	vld [tilespmem:s13+$0xFFFFFE60]  }
0xa8: {  	v4 =	vld.idx.msk [tilespmem:v4+s2+$0x0], $0xffff  }
0xa9: {  	[tilespmem:v2+s10+$0x0] =	vst.idx.add.f32.msk $0xffff, v1  }
0xaa: {  	v2 =	vld [tilespmem:s13+$0x180]  }
0xab: {  	v5 =	vld.idx.msk [tilespmem:v5+s2+$0x0], $0xffff;
	_ =	sdelay $0x3  }
0xac: {  	v4 =	vadd.s32 s15, v4  }
0xad: {  	v3 =	vld.idx.msk [tilespmem:v3+s2+$0x0], $0xffff;
	v5 =	vadd.s32 s16, v5;
	_ =	sdelay $0x1  }
0xae: {  	v2 =	vld.idx.msk [tilespmem:v2+s2+$0x0], $0xffff;
	_ =	sdelay $0x1  }
0xaf: {  	[tilespmem:v4+s10+$0x0] =	vst.idx.add.f32.msk $0xffff, v1  }
0xb0: {  	s18 =	simm.s32 $0x10300;
	v3 =	vadd.s32 s14, v3;
	[tilespmem:v5+s10+$0x0] =	vst.idx.add.f32.msk $0xffff, v1  }
0xb1: {  	[tilespmem:s18+$0x80] =	vst v0;
	v4 =	vld [tilespmem:s13+$0xFFFFFF70]  }
0xb2: {  	[tilespmem:s18+$0x90] =	vst v0;
	v5 =	vld [tilespmem:s13+$0x70];
	v2 =	vadd.s32 s22, v2  }
0xb3: {  	[tilespmem:s18+$0xA0] =	vst v0  }
0xb4: {  	[tilespmem:s18+$0xB0] =	vst v0  }
0xb5: {  	[tilespmem:v3+s10+$0x0] =	vst.idx.add.f32.msk $0xffff, v1  }
0xb6: {  	[tilespmem:s18+$0xC0] =	vst v0;
	v3 =	vld [tilespmem:s13+$0xFFFFFE70]  }
0xb7: {  	[tilespmem:v2+s10+$0x0] =	vst.idx.add.f32.msk $0xffff, v1  }
0xb8: {  	[tilespmem:s18+$0xD0] =	vst v0;
	v2 =	vld [tilespmem:s13+$0x190]  }
0xb9: {  	[tilespmem:s18+$0xE0] =	vst v0;
	v4 =	vld.idx.msk [tilespmem:v4+s2+$0x0], $0xffff  }
0xba: {  	[tilespmem:s18+$0xF0] =	vst v0;
	v5 =	vld.idx.msk [tilespmem:v5+s2+$0x0], $0xffff  }
0xbb: {  	[tilespmem:s18+$0xFFFFFF10] =	vst v0  }
0xbc: {  	[tilespmem:s18+$0xFFFFFF20] =	vst v0  }
0xbd: {  	[tilespmem:s18+$0xFFFFFF80] =	vst v0  }
0xbe: {  	[tilespmem:s18+$0xFFFFFF90] =	vst v0;
	v4 =	vadd.s32 s15, v4  }
0xbf: {  	[tilespmem:s18+$0xFFFFFFA0] =	vst v0;
	v5 =	vadd.s32 s16, v5  }
0xc0: {  	[tilespmem:s18+$0xFFFFFFB0] =	vst v0;
	v2 =	vld.idx.msk [tilespmem:v2+s2+$0x0], $0xffff  }
0xc1: {  	[tilespmem:s18+$0xFFFFFFC0] =	vst v0  }
0xc2: {  	[tilespmem:s18+$0xFFFFFFD0] =	vst v0;
	v3 =	vld.idx.msk [tilespmem:v3+s2+$0x0], $0xffff  }
0xc3: {  	[tilespmem:v4+s10+$0x0] =	vst.idx.add.f32.msk $0xffff, v1  }
0xc4: {  	[tilespmem:v5+s10+$0x0] =	vst.idx.add.f32.msk $0xffff, v1  }
0xc5: {  	[tilespmem:s18+$0xFFFFFFE0] =	vst v0;
	v5 =	vld [tilespmem:s13+$0xFFFFFF80];
	v2 =	vadd.s32 s22, v2  }
0xc6: {  	[tilespmem:s18+$0xFFFFFFF0] =	vst v0  }
0xc7: {  	[tilespmem:s18+$0x0] =	vst v0;
	v3 =	vadd.s32 s14, v3  }
0xc8: {  	s20 =	simm.s32 $0x8600;
	[tilespmem:s18+$0x10] =	vst v0  }
0xc9: {  	[tilespmem:s18+$0x20] =	vst v0;
	v7 =	vld [tilespmem:s20+$0xFFFFFF00]  }
0xca: {  	[tilespmem:v2+s10+$0x0] =	vst.idx.add.f32.msk $0xffff, v1  }
0xcb: {  	[tilespmem:s18+$0x30] =	vst v0;
	v2 =	vld [tilespmem:s13+$0x1A0]  }
0xcc: {  	[tilespmem:v3+s10+$0x0] =	vst.idx.add.f32.msk $0xffff, v1  }
0xcd: {  	[tilespmem:s18+$0x40] =	vst v0;
	v5 =	vld.idx.msk [tilespmem:v5+s2+$0x0], $0xffff  }
0xce: {  	[tilespmem:s18+$0x50] =	vst v0;
	v3 =	vld [tilespmem:s20+$0x100]  }
0xcf: {  	[tilespmem:s18+$0x60] =	vst v0  }
0xd0: {  	[tilespmem:s18+$0x70] =	vst v0  }
0xd1: {  	[tilespmem:s18+$0xFFFFFF30] =	vst v0;
	v60 =	vld [tilespmem:s20+$0x0]  }
0xd2: {  	[tilespmem:s18+$0xFFFFFF40] =	vst v0;
	v7 =	vld.idx.msk [tilespmem:v7+s2+$0x0], $0xffff;
	v5 =	vadd.s32 s15, v5  }
0xd3: {  	[tilespmem:s18+$0xFFFFFF50] =	vst v0;
	v2 =	vld.idx.msk [tilespmem:v2+s2+$0x0], $0xffff  }
0xd4: {  	[tilespmem:s18+$0xFFFFFF60] =	vst v0  }
0xd5: {  	[tilespmem:s18+$0xFFFFFF70] =	vst v0  }
0xd6: {  	[tilespmem:s18+$0xFFFFFF00] =	vst v0;
	s18 =	simm.s32 $0x280;
	v3 =	vld.idx.msk [tilespmem:v3+s2+$0x0], $0xffff  }
0xd7: {  	[tilespmem:v5+s10+$0x0] =	vst.idx.add.f32.msk $0xffff, v1;
	v5 =	vadd.s32 s18, v7  }
0xd8: {  	v2 =	vadd.s32 s22, v2  }
0xd9: {  	v7 =	vld.idx.msk [tilespmem:v60+s2+$0x0], $0xffff;
	_ =	sdelay $0x1  }
0xda: {  	s17 =	simm.s32 $0x380  }
0xdb: {  	v3 =	vadd.s32 s17, v3;
	[tilespmem:v5+s10+$0x0] =	vst.idx.add.f32.msk $0xffff, v1  }
0xdc: {  	s19 =	simm.s32 $0x300;
	[tilespmem:v2+s10+$0x0] =	vst.idx.add.f32.msk $0xffff, v1  }
0xdd: {  	v5 =	vadd.s32 s19, v7;
	v2 =	vld [tilespmem:s13+$0x1B0]  }
0xde: {  	v4 =	vld [tilespmem:s13+$0xFFFFFE80]  }
0xdf: {  	v6 =	vld [tilespmem:s13+$0x80]  }
0xe0: {  	[tilespmem:v3+s10+$0x0] =	vst.idx.add.f32.msk $0xffff, v1  }
0xe1: {  	v3 =	vld [tilespmem:s20+$0x110]  }
0xe2: {  	[tilespmem:v5+s10+$0x0] =	vst.idx.add.f32.msk $0xffff, v1  }
0xe3: {  	v5 =	vld [tilespmem:s20+$0x10];
	_ =	sdelay $0x1  }
0xe4: {  	v2 =	vld.idx.msk [tilespmem:v2+s2+$0x0], $0xffff;
	_ =	sdelay $0x1  }
0xe5: {  	v4 =	vld.idx.msk [tilespmem:v4+s2+$0x0], $0xffff  }
0xe6: {  	v8 =	vld [tilespmem:s20+$0xFFFFFE00]  }
0xe7: {  	v3 =	vld.idx.msk [tilespmem:v3+s2+$0x0], $0xffff  }
0xe8: {  	v6 =	vld.idx.msk [tilespmem:v6+s2+$0x0], $0xffff;
	v2 =	vadd.s32 s22, v2  }
0xe9: {  	v5 =	vld.idx.msk [tilespmem:v5+s2+$0x0], $0xffff  }
0xea: {  	v4 =	vadd.s32 s14, v4;
	_ =	sdelay $0x1  }
0xeb: {  	v3 =	vadd.s32 s17, v3  }
0xec: {  	[tilespmem:v2+s10+$0x0] =	vst.idx.add.f32.msk $0xffff, v1  }
0xed: {  	v5 =	vadd.s32 s19, v5;
	v2 =	vadd.s32 s16, v6;
	v6 =	vld [tilespmem:s13+$0x1C0]  }
0xee: {  	[tilespmem:v4+s10+$0x0] =	vst.idx.add.f32.msk $0xffff, v1  }
0xef: {  	v4 =	vld.idx.msk [tilespmem:v8+s2+$0x0], $0xffff  }
0xf0: {  	[tilespmem:v3+s10+$0x0] =	vst.idx.add.f32.msk $0xffff, v1  }
0xf1: {  	v3 =	vld [tilespmem:s20+$0x120]  }
0xf2: {  	[tilespmem:v5+s10+$0x0] =	vst.idx.add.f32.msk $0xffff, v1  }
0xf3: {  	v5 =	vld [tilespmem:s20+$0x20]  }
0xf4: {  	s21 =	simm.s32 $0x200;
	[tilespmem:v2+s10+$0x0] =	vst.idx.add.f32.msk $0xffff, v1  }
0xf5: {  	v2 =	vadd.s32 s21, v4;
	v4 =	vld.idx.msk [tilespmem:v6+s2+$0x0], $0xffff  }
0xf6: {  	v8 =	vld [tilespmem:s13+$0xFFFFFF90]  }
0xf7: {  	v7 =	vld [tilespmem:s13+$0xFFFFFE90]  }
0xf8: {  	v6 =	vld [tilespmem:s20+$0xFFFFFF10]  }
0xf9: {  	v3 =	vld.idx.msk [tilespmem:v3+s2+$0x0], $0xffff  }
0xfa: {  	[tilespmem:v2+s10+$0x0] =	vst.idx.add.f32.msk $0xffff, v1;
	v2 =	vadd.s32 s22, v4  }
0xfb: {  	v4 =	vld [tilespmem:s20+$0xFFFFFE10]  }
0xfc: {  	v5 =	vld.idx.msk [tilespmem:v5+s2+$0x0], $0xffff;
	_ =	sdelay $0x2  }
0xfd: {  	[tilespmem:v2+s10+$0x0] =	vst.idx.add.f32.msk $0xffff, v1  }
0xfe: {  	v3 =	vadd.s32 s17, v3;
	v2 =	vld.idx.msk [tilespmem:v6+s2+$0x0], $0xffff  }
0xff: {  	v8 =	vld.idx.msk [tilespmem:v8+s2+$0x0], $0xffff;
	v5 =	vadd.s32 s19, v5  }
0x100: {  	v7 =	vld.idx.msk [tilespmem:v7+s2+$0x0], $0xffff  }
0x101: {  	v4 =	vld.idx.msk [tilespmem:v4+s2+$0x0], $0xffff  }
0x102: {  	v6 =	vld [tilespmem:s13+$0x1D0]  }
0x103: {  	[tilespmem:v3+s10+$0x0] =	vst.idx.add.f32.msk $0xffff, v1;
	v2 =	vadd.s32 s18, v2  }
0x104: {  	[tilespmem:v5+s10+$0x0] =	vst.idx.add.f32.msk $0xffff, v1  }
0x105: {  	v5 =	vld [tilespmem:s20+$0x30]  }
0x106: {  	v3 =	vadd.s32 s21, v4;
	v4 =	vld [tilespmem:s20+$0x130]  }
0x107: {  	v61 =	vld [tilespmem:s13+$0x90]  }
0x108: {  	[tilespmem:v2+s10+$0x0] =	vst.idx.add.f32.msk $0xffff, v1  }
0x109: {  	v2 =	vadd.s32 s14, v7;
	v7 =	vld [tilespmem:s20+$0xFFFFFF20]  }
0x10a: {  	v6 =	vld.idx.msk [tilespmem:v6+s2+$0x0], $0xffff  }
0x10b: {  	[tilespmem:v3+s10+$0x0] =	vst.idx.add.f32.msk $0xffff, v1  }
0x10c: {  	v3 =	vld [tilespmem:s20+$0xFFFFFE20];
	_ =	sdelay $0x1  }
0x10d: {  	v4 =	vld.idx.msk [tilespmem:v4+s2+$0x0], $0xffff;
	_ =	sdelay $0x1  }
0x10e: {  	v6 =	vadd.s32 s22, v6;
	[tilespmem:v2+s10+$0x0] =	vst.idx.add.f32.msk $0xffff, v1  }
0x10f: {  	v2 =	vadd.s32 s15, v8;
	v7 =	vld.idx.msk [tilespmem:v7+s2+$0x0], $0xffff  }
0x110: {  	v5 =	vld.idx.msk [tilespmem:v5+s2+$0x0], $0xffff  }
0x111: {  	v9 =	vld.idx.msk [tilespmem:v61+s2+$0x0], $0xffff;
	v4 =	vadd.s32 s17, v4  }
0x112: {  	v3 =	vld.idx.msk [tilespmem:v3+s2+$0x0], $0xffff  }
0x113: {  	[tilespmem:v6+s10+$0x0] =	vst.idx.add.f32.msk $0xffff, v1  }
0x114: {  	[tilespmem:v2+s10+$0x0] =	vst.idx.add.f32.msk $0xffff, v1;
	v2 =	vadd.s32 s18, v7  }
0x115: {  	v6 =	vld [tilespmem:s13+$0x1E0]  }
0x116: {  	v8 =	vadd.s32 s16, v9;
	[tilespmem:v4+s10+$0x0] =	vst.idx.add.f32.msk $0xffff, v1  }
0x117: {  	v4 =	vld [tilespmem:s20+$0x140];
	v3 =	vadd.s32 s21, v3  }
0x118: {  	v7 =	vld [tilespmem:s13+$0xFFFFFEA0]  }
0x119: {  	[tilespmem:v2+s10+$0x0] =	vst.idx.add.f32.msk $0xffff, v1  }
0x11a: {  	v2 =	vld [tilespmem:s20+$0xFFFFFF30]  }
0x11b: {  	[tilespmem:v8+s10+$0x0] =	vst.idx.add.f32.msk $0xffff, v1  }
0x11c: {  	[tilespmem:v3+s10+$0x0] =	vst.idx.add.f32.msk $0xffff, v1  }
0x11d: {  	v3 =	vld [tilespmem:s20+$0xFFFFFE30]  }
0x11e: {  	v5 =	vadd.s32 s19, v5;
	v8 =	vld [tilespmem:s13+$0xFFFFFFA0]  }
0x11f: {  	v4 =	vld.idx.msk [tilespmem:v4+s2+$0x0], $0xffff  }
0x120: {  	v62 =	vld [tilespmem:s13+$0xA0]  }
0x121: {  	v7 =	vld.idx.msk [tilespmem:v7+s2+$0x0], $0xffff  }
0x122: {  	v2 =	vld.idx.msk [tilespmem:v2+s2+$0x0], $0xffff  }
0x123: {  	[tilespmem:v5+s10+$0x0] =	vst.idx.add.f32.msk $0xffff, v1  }
0x124: {  	v5 =	vld [tilespmem:s20+$0x40];
	v4 =	vadd.s32 s17, v4  }
0x125: {  	v3 =	vld.idx.msk [tilespmem:v3+s2+$0x0], $0xffff  }
0x126: {  	v6 =	vld.idx.msk [tilespmem:v6+s2+$0x0], $0xffff;
	v7 =	vadd.s32 s14, v7  }
0x127: {  	v8 =	vld.idx.msk [tilespmem:v8+s2+$0x0], $0xffff;
	v2 =	vadd.s32 s18, v2  }
0x128: {  	v9 =	vld.idx.msk [tilespmem:v62+s2+$0x0], $0xffff  }
0x129: {  	[tilespmem:v4+s10+$0x0] =	vst.idx.add.f32.msk $0xffff, v1  }
0x12a: {  	v3 =	vadd.s32 s21, v3;
	v4 =	vld [tilespmem:s20+$0x150]  }
0x12b: {  	[tilespmem:v7+s10+$0x0] =	vst.idx.add.f32.msk $0xffff, v1  }
0x12c: {  	[tilespmem:v2+s10+$0x0] =	vst.idx.add.f32.msk $0xffff, v1;
	v2 =	vadd.s32 s15, v8  }
0x12d: {  	v8 =	vld [tilespmem:s13+$0xFFFFFEB0]  }
0x12e: {  	v7 =	vld [tilespmem:s20+$0xFFFFFF40]  }
0x12f: {  	[tilespmem:v3+s10+$0x0] =	vst.idx.add.f32.msk $0xffff, v1  }
0x130: {  	v3 =	vld [tilespmem:s20+$0xFFFFFE40]  }
0x131: {  	v9 =	vadd.s32 s16, v9;
	[tilespmem:v2+s10+$0x0] =	vst.idx.add.f32.msk $0xffff, v1  }
0x132: {  	v4 =	vld.idx.msk [tilespmem:v4+s2+$0x0], $0xffff  }
0x133: {  	v2 =	vadd.s32 s22, v6;
	v6 =	vld [tilespmem:s13+$0xFFFFFFB0];
	_ =	sdelay $0x1  }
0x134: {  	v5 =	vld.idx.msk [tilespmem:v5+s2+$0x0], $0xffff  }
0x135: {  	[tilespmem:v9+s10+$0x0] =	vst.idx.add.f32.msk $0xffff, v1  }
0x136: {  	v7 =	vld.idx.msk [tilespmem:v7+s2+$0x0], $0xffff;
	v4 =	vadd.s32 s17, v4  }
0x137: {  	v3 =	vld.idx.msk [tilespmem:v3+s2+$0x0], $0xffff  }
0x138: {  	v8 =	vld.idx.msk [tilespmem:v8+s2+$0x0], $0xffff  }
0x139: {  	[tilespmem:v2+s10+$0x0] =	vst.idx.add.f32.msk $0xffff, v1  }
0x13a: {  	v6 =	vld.idx.msk [tilespmem:v6+s2+$0x0], $0xffff  }
0x13b: {  	v7 =	vadd.s32 s18, v7;
	[tilespmem:v4+s10+$0x0] =	vst.idx.add.f32.msk $0xffff, v1  }
0x13c: {  	v2 =	vadd.s32 s21, v3;
	v3 =	vld [tilespmem:s20+$0x160]  }
0x13d: {  	v4 =	vld [tilespmem:s13+$0xB0];
	_ =	sdelay $0x2  }
0x13e: {  	[tilespmem:v7+s10+$0x0] =	vst.idx.add.f32.msk $0xffff, v1  }
0x13f: {  	v5 =	vadd.s32 s19, v5;
	[tilespmem:v2+s10+$0x0] =	vst.idx.add.f32.msk $0xffff, v1  }
0x140: {  	v6 =	vadd.s32 s15, v6;
	v2 =	vadd.s32 s14, v8;
	v8 =	vld [tilespmem:s20+$0xFFFFFF50]  }
0x141: {  	v7 =	vld [tilespmem:s20+$0xFFFFFE50]  }
0x142: {  	v3 =	vld.idx.msk [tilespmem:v3+s2+$0x0], $0xffff  }
0x143: {  	v4 =	vld.idx.msk [tilespmem:v4+s2+$0x0], $0xffff  }
0x144: {  	[tilespmem:v5+s10+$0x0] =	vst.idx.add.f32.msk $0xffff, v1  }
0x145: {  	[tilespmem:v6+s10+$0x0] =	vst.idx.add.f32.msk $0xffff, v1  }
0x146: {  	[tilespmem:v2+s10+$0x0] =	vst.idx.add.f32.msk $0xffff, v1  }
0x147: {  	v2 =	vadd.s32 s17, v3;
	v3 =	vld [tilespmem:s20+$0x50]  }
0x148: {  	v4 =	vadd.s32 s16, v4;
	v6 =	vld.idx.msk [tilespmem:v8+s2+$0x0], $0xffff  }
0x149: {  	v5 =	vld.idx.msk [tilespmem:v7+s2+$0x0], $0xffff  }
0x14a: {  	v7 =	vld [tilespmem:s13+$0xFFFFFFC0];
	_ =	sdelay $0x1  }
0x14b: {  	v63 =	vld [tilespmem:s13+$0x1F0]  }
0x14c: {  	[tilespmem:v4+s10+$0x0] =	vst.idx.add.f32.msk $0xffff, v1  }
0x14d: {  	[tilespmem:v2+s10+$0x0] =	vst.idx.add.f32.msk $0xffff, v1;
	v6 =	vadd.s32 s18, v6  }
0x14e: {  	v2 =	vld [tilespmem:s20+$0x170];
	v4 =	vadd.s32 s21, v5  }
0x14f: {  	v5 =	vld [tilespmem:s13+$0xFFFFFEC0]  }
0x150: {  	v3 =	vld.idx.msk [tilespmem:v3+s2+$0x0], $0xffff  }
0x151: {  	v7 =	vld.idx.msk [tilespmem:v7+s2+$0x0], $0xffff  }
0x152: {  	[tilespmem:v6+s10+$0x0] =	vst.idx.add.f32.msk $0xffff, v1  }
0x153: {  	[tilespmem:v4+s10+$0x0] =	vst.idx.add.f32.msk $0xffff, v1  }
0x154: {  	v6 =	vld [tilespmem:s20+$0xFFFFFF60]  }
0x155: {  	v4 =	vld [tilespmem:s20+$0xFFFFFE60];
	v3 =	vadd.s32 s19, v3  }
0x156: {  	v8 =	vld [tilespmem:s13+$0xC0]  }
0x157: {  	v2 =	vld.idx.msk [tilespmem:v2+s2+$0x0], $0xffff  }
0x158: {  	v9 =	vld.idx.msk [tilespmem:v63+s2+$0x0], $0xffff  }
0x159: {  	v5 =	vld.idx.msk [tilespmem:v5+s2+$0x0], $0xffff  }
0x15a: {  	v7 =	vadd.s32 s15, v7;
	[tilespmem:v3+s10+$0x0] =	vst.idx.add.f32.msk $0xffff, v1  }
0x15b: {  	v3 =	vld [tilespmem:s20+$0x60]  }
0x15c: {  	v2 =	vadd.s32 s17, v2;
	v6 =	vld.idx.msk [tilespmem:v6+s2+$0x0], $0xffff  }
0x15d: {  	v4 =	vld.idx.msk [tilespmem:v4+s2+$0x0], $0xffff  }
0x15e: {  	v8 =	vld.idx.msk [tilespmem:v8+s2+$0x0], $0xffff  }
0x15f: {  	v5 =	vadd.s32 s14, v5;
	[tilespmem:v7+s10+$0x0] =	vst.idx.add.f32.msk $0xffff, v1  }
0x160: {  	v7 =	vld [tilespmem:s13+$0xFFFFFFD0]  }
0x161: {  	[tilespmem:v2+s10+$0x0] =	vst.idx.add.f32.msk $0xffff, v1;
	v6 =	vadd.s32 s18, v6  }
0x162: {  	v2 =	vld [tilespmem:s20+$0x180];
	v4 =	vadd.s32 s21, v4  }
0x163: {  	v3 =	vld.idx.msk [tilespmem:v3+s2+$0x0], $0xffff  }
0x164: {  	[tilespmem:v5+s10+$0x0] =	vst.idx.add.f32.msk $0xffff, v1  }
0x165: {  	v5 =	vld [tilespmem:s13+$0xFFFFFED0]  }
0x166: {  	v8 =	vadd.s32 s16, v8;
	[tilespmem:v6+s10+$0x0] =	vst.idx.add.f32.msk $0xffff, v1  }
0x167: {  	[tilespmem:v4+s10+$0x0] =	vst.idx.add.f32.msk $0xffff, v1  }
0x168: {  	v6 =	vld [tilespmem:s20+$0xFFFFFF70];
	v3 =	vadd.s32 s19, v3  }
0x169: {  	v4 =	vld [tilespmem:s20+$0xFFFFFE70]  }
0x16a: {  	v2 =	vld.idx.msk [tilespmem:v2+s2+$0x0], $0xffff  }
0x16b: {  	[tilespmem:v8+s10+$0x0] =	vst.idx.add.f32.msk $0xffff, v1  }
0x16c: {  	v8 =	vld [tilespmem:s13+$0xD0]  }
0x16d: {  	[tilespmem:v3+s10+$0x0] =	vst.idx.add.f32.msk $0xffff, v1  }
0x16e: {  	v3 =	vld [tilespmem:s20+$0x70]  }
0x16f: {  	v5 =	vld.idx.msk [tilespmem:v5+s2+$0x0], $0xffff;
	v2 =	vadd.s32 s17, v2  }
0x170: {  	v6 =	vld.idx.msk [tilespmem:v6+s2+$0x0], $0xffff  }
0x171: {  	v4 =	vld.idx.msk [tilespmem:v4+s2+$0x0], $0xffff  }
0x172: {  	v9 =	vadd.s32 s22, v9  }
0x173: {  	v7 =	vld.idx.msk [tilespmem:v7+s2+$0x0], $0xffff  }
0x174: {  	v5 =	vadd.s32 s14, v5;
	[tilespmem:v2+s10+$0x0] =	vst.idx.add.f32.msk $0xffff, v1  }
0x175: {  	v6 =	vadd.s32 s18, v6;
	v2 =	vld [tilespmem:s20+$0x190]  }
0x176: {  	v4 =	vadd.s32 s21, v4;
	v3 =	vld.idx.msk [tilespmem:v3+s2+$0x0], $0xffff  }
0x177: {  	[tilespmem:v9+s10+$0x0] =	vst.idx.add.f32.msk $0xffff, v1  }
0x178: {  	v8 =	vld.idx.msk [tilespmem:v8+s2+$0x0], $0xffff  }
0x179: {  	[tilespmem:v5+s10+$0x0] =	vst.idx.add.f32.msk $0xffff, v1  }
0x17a: {  	v5 =	vadd.s32 s15, v7;
	[tilespmem:v6+s10+$0x0] =	vst.idx.add.f32.msk $0xffff, v1  }
0x17b: {  	[tilespmem:v4+s10+$0x0] =	vst.idx.add.f32.msk $0xffff, v1;
	v3 =	vadd.s32 s19, v3  }
0x17c: {  	v4 =	vld [tilespmem:s20+$0xFFFFFE80]  }
0x17d: {  	v7 =	vadd.s32 s16, v8;
	v2 =	vld.idx.msk [tilespmem:v2+s2+$0x0], $0xffff  }
0x17e: {  	v6 =	vld [tilespmem:s20+$0xFFFFFF80]  }
0x17f: {  	[tilespmem:v5+s10+$0x0] =	vst.idx.add.f32.msk $0xffff, v1  }
0x180: {  	[tilespmem:v3+s10+$0x0] =	vst.idx.add.f32.msk $0xffff, v1  }
0x181: {  	v8 =	vld [tilespmem:s20+$0x80]  }
0x182: {  	[tilespmem:v7+s10+$0x0] =	vst.idx.add.f32.msk $0xffff, v1;
	v5 =	vadd.s32 s17, v2  }
0x183: {  	v3 =	vld [tilespmem:s13+$0xFFFFFEE0]  }
0x184: {  	v4 =	vld.idx.msk [tilespmem:v4+s2+$0x0], $0xffff  }
0x185: {  	v2 =	vld [tilespmem:s13+$0xFFFFFFE0]  }
0x186: {  	v6 =	vld.idx.msk [tilespmem:v6+s2+$0x0], $0xffff  }
0x187: {  	[tilespmem:v5+s10+$0x0] =	vst.idx.add.f32.msk $0xffff, v1  }
0x188: {  	s24 =	simm.s32 $0x4;
	v5 =	vld [tilespmem:s20+$0x1A0]  }
0x189: {  	s25 =	simm.s32 $0x10500;
	s23 =	simm.s32 $0x8600;
	s22 =	simm.s32 $0x200;
	v4 =	vadd.s32 s21, v4;
	v7 =	vld.idx.msk [tilespmem:v8+s2+$0x0], $0xffff  }
.LBB2_4:
0x18a: {  	[tilespmem:s25+$0x80] =	vst v0;
	v8 =	vld [tilespmem:s13+$0xE0]  }
0x18b: {  	[tilespmem:s25+$0x90] =	vst v0  }
0x18c: {  	v6 =	vadd.s32 s18, v6;
	[tilespmem:s25+$0xA0] =	vst v0;
	v3 =	vld.idx.msk [tilespmem:v3+s2+$0x0], $0xffff  }
0x18d: {  	[tilespmem:s25+$0xB0] =	vst v0;
	v2 =	vld.idx.msk [tilespmem:v2+s2+$0x0], $0xffff  }
0x18e: {  	[tilespmem:s25+$0xC0] =	vst v0  }
0x18f: {  	v7 =	vadd.s32 s19, v7;
	[tilespmem:s25+$0xD0] =	vst v0  }
0x190: {  	[tilespmem:s25+$0xE0] =	vst v0;
	v5 =	vld.idx.msk [tilespmem:v5+s2+$0x0], $0xffff  }
0x191: {  	s20 =	sadd.s32 $0x400, s20;
	[tilespmem:s25+$0xF0] =	vst v0  }
0x192: {  	v10 =	vadd.s32 s14, v3;
	[tilespmem:s25+$0xFFFFFF10] =	vst v0;
	v9 =	vld [tilespmem:s20+$0x100]  }
0x193: {  	s24 =	sadd.s32 $0x4, s24;
	v2 =	vadd.s32 s15, v2;
	[tilespmem:s25+$0xFFFFFF20] =	vst v0;
	v3 =	vld.idx.msk [tilespmem:v8+s2+$0x0], $0xffff  }
0x194: {  	p0 =	slt.u32 s24, $0x7C;
	[tilespmem:s25+$0xFFFFFF30] =	vst v0  }
0x195: {  	[tilespmem:s25+$0xFFFFFF40] =	vst v0  }
0x196: {  	v5 =	vadd.s32 s17, v5;
	[tilespmem:s25+$0xFFFFFF50] =	vst v0  }
0x197: {  	[tilespmem:s25+$0xFFFFFF60] =	vst v0  }
0x198: {  	[tilespmem:s25+$0xFFFFFF70] =	vst v0  }
0x199: {  	v3 =	vadd.s32 s16, v3;
	[tilespmem:s25+$0xFFFFFF80] =	vst v0  }
0x19a: {  	[tilespmem:s25+$0xFFFFFF90] =	vst v0;
	v8 =	vld.idx.msk [tilespmem:v9+s2+$0x0], $0xffff  }
0x19b: {  	[tilespmem:v5+s10+$0x0] =	vst.idx.add.f32.msk $0xffff, v1  }
0x19c: {  	[tilespmem:s25+$0xFFFFFFA0] =	vst v0;
	v5 =	vld [tilespmem:s23+$0x1B0]  }
0x19d: {  	[tilespmem:s25+$0xFFFFFFB0] =	vst v0  }
0x19e: {  	s21 =	sadd.s32 $0x200, s21;
	[tilespmem:s25+$0xFFFFFFC0] =	vst v0  }
0x19f: {  	s28 =	sadd.s32 $0x80, s21;
	s26 =	sadd.s32 $0x100, s21;
	s29 =	sadd.s32 $0x180, s21;
	[tilespmem:s25+$0xFFFFFFD0] =	vst v0  }
0x1a0: {  	v8 =	vadd.s32 s29, v8;
	[tilespmem:s25+$0xFFFFFFE0] =	vst v0  }
0x1a1: {  	[tilespmem:s25+$0xFFFFFFF0] =	vst v0  }
0x1a2: {  	v9 =	vld [tilespmem:s20+$0xFFFFFF00];
	[tilespmem:s25+$0x0] =	vst v0  }
0x1a3: {  	[tilespmem:s25+$0x10] =	vst v0  }
0x1a4: {  	[tilespmem:s25+$0x20] =	vst v0;
	v5 =	vld.idx.msk [tilespmem:v5+s2+$0x0], $0xffff  }
0x1a5: {  	[tilespmem:v8+s10+$0x0] =	vst.idx.add.f32.msk $0xffff, v1  }
0x1a6: {  	[tilespmem:s25+$0x30] =	vst v0;
	v8 =	vld [tilespmem:s20+$0x110]  }
0x1a7: {  	[tilespmem:s25+$0x40] =	vst v0  }
0x1a8: {  	[tilespmem:s25+$0x50] =	vst v0  }
0x1a9: {  	[tilespmem:s25+$0x60] =	vst v0  }
0x1aa: {  	v5 =	vadd.s32 s17, v5;
	v9 =	vld.idx.msk [tilespmem:v9+s2+$0x0], $0xffff;
	[tilespmem:s25+$0x70] =	vst v0  }
0x1ab: {  	[tilespmem:s25+$0xFFFFFF00] =	vst v0;
	v11 =	vld [tilespmem:s20+$0x0]  }
0x1ac: {  	v12 =	vld [tilespmem:s20+$0xFFFFFE00]  }
0x1ad: {  	[tilespmem:v4+s10+$0x0] =	vst.idx.add.f32.msk $0xffff, v1  }
0x1ae: {  	v4 =	vld.idx.msk [tilespmem:v8+s2+$0x0], $0xffff  }
0x1af: {  	[tilespmem:v5+s10+$0x0] =	vst.idx.add.f32.msk $0xffff, v1  }
0x1b0: {  	v5 =	vadd.s32 s28, v9;
	v8 =	vld [tilespmem:s23+$0x1C0]  }
0x1b1: {  	[tilespmem:v6+s10+$0x0] =	vst.idx.add.f32.msk $0xffff, v1  }
0x1b2: {  	[tilespmem:v7+s10+$0x0] =	vst.idx.add.f32.msk $0xffff, v1  }
0x1b3: {  	v6 =	vld.idx.msk [tilespmem:v11+s2+$0x0], $0xffff  }
0x1b4: {  	v4 =	vadd.s32 s29, v4;
	v7 =	vld.idx.msk [tilespmem:v12+s2+$0x0], $0xffff  }
0x1b5: {  	[tilespmem:v5+s10+$0x0] =	vst.idx.add.f32.msk $0xffff, v1  }
0x1b6: {  	v5 =	vld [tilespmem:s20+$0xFFFFFF10]  }
0x1b7: {  	v9 =	vld [tilespmem:s23+$0xFFFFFE90]  }
0x1b8: {  	v8 =	vld.idx.msk [tilespmem:v8+s2+$0x0], $0xffff  }
0x1b9: {  	v6 =	vadd.s32 s26, v6;
	[tilespmem:v4+s10+$0x0] =	vst.idx.add.f32.msk $0xffff, v1  }
0x1ba: {  	v4 =	vadd.s32 s21, v7;
	v7 =	vld [tilespmem:s20+$0x120]  }
0x1bb: {  	v11 =	vld [tilespmem:s23+$0xFFFFFF90]  }
0x1bc: {  	v12 =	vld [tilespmem:s23+$0x90]  }
0x1bd: {  	[tilespmem:v10+s10+$0x0] =	vst.idx.add.f32.msk $0xffff, v1  }
0x1be: {  	[tilespmem:v6+s10+$0x0] =	vst.idx.add.f32.msk $0xffff, v1;
	v6 =	vadd.s32 s17, v8  }
0x1bf: {  	[tilespmem:v4+s10+$0x0] =	vst.idx.add.f32.msk $0xffff, v1  }
0x1c0: {  	v4 =	vld [tilespmem:s20+$0xFFFFFE10]  }
0x1c1: {  	v8 =	vld [tilespmem:s20+$0x10]  }
0x1c2: {  	v7 =	vld.idx.msk [tilespmem:v7+s2+$0x0], $0xffff  }
0x1c3: {  	[tilespmem:v6+s10+$0x0] =	vst.idx.add.f32.msk $0xffff, v1  }
0x1c4: {  	v6 =	vld [tilespmem:s23+$0x1D0]  }
0x1c5: {  	v5 =	vld.idx.msk [tilespmem:v5+s2+$0x0], $0xffff  }
0x1c6: {  	v9 =	vld.idx.msk [tilespmem:v9+s2+$0x0], $0xffff  }
0x1c7: {  	v10 =	vld.idx.msk [tilespmem:v11+s2+$0x0], $0xffff  }
0x1c8: {  	v7 =	vadd.s32 s29, v7;
	v4 =	vld.idx.msk [tilespmem:v4+s2+$0x0], $0xffff  }
0x1c9: {  	v8 =	vld.idx.msk [tilespmem:v8+s2+$0x0], $0xffff  }
0x1ca: {  	v11 =	vld.idx.msk [tilespmem:v12+s2+$0x0], $0xffff  }
0x1cb: {  	v5 =	vadd.s32 s28, v5;
	[tilespmem:v2+s10+$0x0] =	vst.idx.add.f32.msk $0xffff, v1  }
0x1cc: {  	v2 =	vadd.s32 s22, v9;
	v6 =	vld.idx.msk [tilespmem:v6+s2+$0x0], $0xffff  }
0x1cd: {  	[tilespmem:v7+s10+$0x0] =	vst.idx.add.f32.msk $0xffff, v1;
	v7 =	vadd.s32 s18, v10  }
0x1ce: {  	v4 =	vadd.s32 s21, v4;
	v9 =	vld [tilespmem:s20+$0x130]  }
0x1cf: {  	v8 =	vadd.s32 s26, v8;
	[tilespmem:v3+s10+$0x0] =	vst.idx.add.f32.msk $0xffff, v1  }
0x1d0: {  	v3 =	vadd.s32 s19, v11;
	[tilespmem:v5+s10+$0x0] =	vst.idx.add.f32.msk $0xffff, v1  }
0x1d1: {  	v5 =	vld [tilespmem:s20+$0xFFFFFF20]  }
0x1d2: {  	[tilespmem:v2+s10+$0x0] =	vst.idx.add.f32.msk $0xffff, v1;
	v2 =	vadd.s32 s17, v6  }
0x1d3: {  	[tilespmem:v4+s10+$0x0] =	vst.idx.add.f32.msk $0xffff, v1  }
0x1d4: {  	[tilespmem:v8+s10+$0x0] =	vst.idx.add.f32.msk $0xffff, v1  }
0x1d5: {  	v4 =	vld [tilespmem:s20+$0xFFFFFE20]  }
0x1d6: {  	v6 =	vld.idx.msk [tilespmem:v9+s2+$0x0], $0xffff  }
0x1d7: {  	[tilespmem:v2+s10+$0x0] =	vst.idx.add.f32.msk $0xffff, v1  }
0x1d8: {  	v2 =	vld [tilespmem:s23+$0x1E0]  }
0x1d9: {  	v8 =	vld [tilespmem:s20+$0x20]  }
0x1da: {  	v5 =	vld.idx.msk [tilespmem:v5+s2+$0x0], $0xffff  }
0x1db: {  	[tilespmem:v7+s10+$0x0] =	vst.idx.add.f32.msk $0xffff, v1  }
0x1dc: {  	v6 =	vadd.s32 s29, v6;
	[tilespmem:v3+s10+$0x0] =	vst.idx.add.f32.msk $0xffff, v1  }
0x1dd: {  	v3 =	vld.idx.msk [tilespmem:v4+s2+$0x0], $0xffff  }
0x1de: {  	v4 =	vld [tilespmem:s23+$0xFFFFFEA0]  }
0x1df: {  	v7 =	vld [tilespmem:s23+$0xFFFFFFA0]  }
0x1e0: {  	v5 =	vadd.s32 s28, v5;
	v2 =	vld.idx.msk [tilespmem:v2+s2+$0x0], $0xffff  }
0x1e1: {  	[tilespmem:v6+s10+$0x0] =	vst.idx.add.f32.msk $0xffff, v1  }
0x1e2: {  	v6 =	vld [tilespmem:s20+$0x140]  }
0x1e3: {  	v3 =	vadd.s32 s21, v3;
	v8 =	vld.idx.msk [tilespmem:v8+s2+$0x0], $0xffff  }
0x1e4: {  	v9 =	vld [tilespmem:s23+$0xA0]  }
0x1e5: {  	[tilespmem:v5+s10+$0x0] =	vst.idx.add.f32.msk $0xffff, v1  }
0x1e6: {  	v2 =	vadd.s32 s17, v2;
	v5 =	vld [tilespmem:s20+$0xFFFFFF30]  }
0x1e7: {  	v4 =	vld.idx.msk [tilespmem:v4+s2+$0x0], $0xffff  }
0x1e8: {  	[tilespmem:v3+s10+$0x0] =	vst.idx.add.f32.msk $0xffff, v1  }
0x1e9: {  	v8 =	vadd.s32 s26, v8;
	v3 =	vld [tilespmem:s20+$0xFFFFFE30]  }
0x1ea: {  	v6 =	vld.idx.msk [tilespmem:v6+s2+$0x0], $0xffff  }
0x1eb: {  	[tilespmem:v2+s10+$0x0] =	vst.idx.add.f32.msk $0xffff, v1  }
0x1ec: {  	v2 =	vld [tilespmem:s23+$0x1F0]  }
0x1ed: {  	v4 =	vadd.s32 s22, v4;
	v7 =	vld.idx.msk [tilespmem:v7+s2+$0x0], $0xffff  }
0x1ee: {  	[tilespmem:v8+s10+$0x0] =	vst.idx.add.f32.msk $0xffff, v1  }
0x1ef: {  	v8 =	vld [tilespmem:s20+$0x30]  }
0x1f0: {  	v5 =	vld.idx.msk [tilespmem:v5+s2+$0x0], $0xffff  }
0x1f1: {  	v3 =	vld.idx.msk [tilespmem:v3+s2+$0x0], $0xffff  }
0x1f2: {  	v6 =	vadd.s32 s29, v6;
	v9 =	vld.idx.msk [tilespmem:v9+s2+$0x0], $0xffff  }
0x1f3: {  	[tilespmem:v4+s10+$0x0] =	vst.idx.add.f32.msk $0xffff, v1;
	v4 =	vadd.s32 s18, v7  }
0x1f4: {  	v2 =	vld.idx.msk [tilespmem:v2+s2+$0x0], $0xffff  }
0x1f5: {  	v7 =	vld [tilespmem:s23+$0xFFFFFEB0]  }
0x1f6: {  	v5 =	vadd.s32 s28, v5;
	v10 =	vld [tilespmem:s13+$0xFFFFFEF0]  }
0x1f7: {  	v3 =	vadd.s32 s21, v3;
	[tilespmem:v6+s10+$0x0] =	vst.idx.add.f32.msk $0xffff, v1  }
0x1f8: {  	v9 =	vadd.s32 s19, v9;
	v6 =	vld [tilespmem:s20+$0x150]  }
0x1f9: {  	v8 =	vld.idx.msk [tilespmem:v8+s2+$0x0], $0xffff  }
0x1fa: {  	v2 =	vadd.s32 s17, v2;
	s17 =	smov.u32 s29;
	[tilespmem:v4+s10+$0x0] =	vst.idx.add.f32.msk $0xffff, v1  }
0x1fb: {  	[tilespmem:v5+s10+$0x0] =	vst.idx.add.f32.msk $0xffff, v1  }
0x1fc: {  	[tilespmem:v3+s10+$0x0] =	vst.idx.add.f32.msk $0xffff, v1  }
0x1fd: {  	v3 =	vld [tilespmem:s20+$0xFFFFFE40]  }
0x1fe: {  	v4 =	vld [tilespmem:s20+$0xFFFFFF40]  }
0x1ff: {  	v5 =	vadd.s32 s26, v8;
	[tilespmem:v2+s10+$0x0] =	vst.idx.add.f32.msk $0xffff, v1  }
0x200: {  	v2 =	vld.idx.msk [tilespmem:v6+s2+$0x0], $0xffff  }
0x201: {  	[tilespmem:v9+s10+$0x0] =	vst.idx.add.f32.msk $0xffff, v1  }
0x202: {  	v6 =	vld [tilespmem:s23+$0xFFFFFFB0]  }
0x203: {  	v8 =	vld [tilespmem:s23+$0xB0]  }
0x204: {  	[tilespmem:v5+s10+$0x0] =	vst.idx.add.f32.msk $0xffff, v1  }
0x205: {  	v5 =	vld [tilespmem:s20+$0x40]  }
0x206: {  	v2 =	vadd.s32 s17, v2;
	v3 =	vld.idx.msk [tilespmem:v3+s2+$0x0], $0xffff  }
0x207: {  	v4 =	vld.idx.msk [tilespmem:v4+s2+$0x0], $0xffff  }
0x208: {  	v7 =	vld.idx.msk [tilespmem:v7+s2+$0x0], $0xffff  }
0x209: {  	v9 =	vld [tilespmem:s13+$0xFFFFFFF0]  }
0x20a: {  	v6 =	vld.idx.msk [tilespmem:v6+s2+$0x0], $0xffff  }
0x20b: {  	[tilespmem:v2+s10+$0x0] =	vst.idx.add.f32.msk $0xffff, v1  }
0x20c: {  	v2 =	vadd.s32 s21, v3;
	v3 =	vld [tilespmem:s20+$0x160]  }
0x20d: {  	v4 =	vadd.s32 s28, v4;
	v5 =	vld.idx.msk [tilespmem:v5+s2+$0x0], $0xffff  }
0x20e: {  	v7 =	vadd.s32 s22, v7;
	v8 =	vld.idx.msk [tilespmem:v8+s2+$0x0], $0xffff  }
0x20f: {  	v11 =	vld [tilespmem:s13+$0xF0];
	s13 =	smov.u32 s23;
	s23 =	smov.u32 s20  }
0x210: {  	v6 =	vadd.s32 s18, v6;
	v10 =	vld.idx.msk [tilespmem:v10+s2+$0x0], $0xffff  }
0x211: {  	[tilespmem:v2+s10+$0x0] =	vst.idx.add.f32.msk $0xffff, v1  }
0x212: {  	[tilespmem:v4+s10+$0x0] =	vst.idx.add.f32.msk $0xffff, v1  }
0x213: {  	v4 =	vadd.s32 s26, v5;
	v2 =	vld [tilespmem:s20+$0xFFFFFE50]  }
0x214: {  	v5 =	vadd.s32 s19, v8;
	v3 =	vld.idx.msk [tilespmem:v3+s2+$0x0], $0xffff  }
0x215: {  	v8 =	vld [tilespmem:s20+$0xFFFFFF50]  }
0x216: {  	[tilespmem:v7+s10+$0x0] =	vst.idx.add.f32.msk $0xffff, v1;
	v7 =	vadd.s32 s14, v10;
	s14 =	smov.u32 s22;
	s22 =	smov.u32 s21  }
0x217: {  	[tilespmem:v6+s10+$0x0] =	vst.idx.add.f32.msk $0xffff, v1  }
0x218: {  	[tilespmem:v4+s10+$0x0] =	vst.idx.add.f32.msk $0xffff, v1  }
0x219: {  	v4 =	vld [tilespmem:s20+$0x50]  }
0x21a: {  	v3 =	vadd.s32 s17, v3;
	[tilespmem:v5+s10+$0x0] =	vst.idx.add.f32.msk $0xffff, v1  }
0x21b: {  	v2 =	vld.idx.msk [tilespmem:v2+s2+$0x0], $0xffff  }
0x21c: {  	v5 =	vld [tilespmem:s13+$0xFFFFFEC0]  }
0x21d: {  	v6 =	vld.idx.msk [tilespmem:v8+s2+$0x0], $0xffff  }
0x21e: {  	v8 =	vld [tilespmem:s13+$0xFFFFFFC0]  }
0x21f: {  	[tilespmem:v3+s10+$0x0] =	vst.idx.add.f32.msk $0xffff, v1  }
0x220: {  	v3 =	vld [tilespmem:s20+$0x170]  }
0x221: {  	v2 =	vadd.s32 s21, v2;
	v4 =	vld.idx.msk [tilespmem:v4+s2+$0x0], $0xffff  }
0x222: {  	v10 =	vld [tilespmem:s13+$0xC0]  }
0x223: {  	v6 =	vadd.s32 s28, v6;
	v9 =	vld.idx.msk [tilespmem:v9+s2+$0x0], $0xffff  }
0x224: {  	v5 =	vld.idx.msk [tilespmem:v5+s2+$0x0], $0xffff  }
0x225: {  	v11 =	vld.idx.msk [tilespmem:v11+s2+$0x0], $0xffff  }
0x226: {  	[tilespmem:v2+s10+$0x0] =	vst.idx.add.f32.msk $0xffff, v1  }
0x227: {  	v4 =	vadd.s32 s26, v4;
	v2 =	vld [tilespmem:s20+$0xFFFFFE60]  }
0x228: {  	v3 =	vld.idx.msk [tilespmem:v3+s2+$0x0], $0xffff  }
0x229: {  	[tilespmem:v6+s10+$0x0] =	vst.idx.add.f32.msk $0xffff, v1;
	v6 =	vadd.s32 s15, v9;
	s15 =	smov.u32 s18;
	s18 =	smov.u32 s28  }
0x22a: {  	v5 =	vadd.s32 s14, v5;
	v9 =	vld [tilespmem:s20+$0xFFFFFF60]  }
0x22b: {  	v11 =	vadd.s32 s16, v11;
	s16 =	smov.u32 s19;
	s19 =	smov.u32 s26;
	v8 =	vld.idx.msk [tilespmem:v8+s2+$0x0], $0xffff  }
0x22c: {  	[tilespmem:v4+s10+$0x0] =	vst.idx.add.f32.msk $0xffff, v1  }
0x22d: {  	v4 =	vld [tilespmem:s20+$0x60]  }
0x22e: {  	v3 =	vadd.s32 s17, v3;
	v10 =	vld.idx.msk [tilespmem:v10+s2+$0x0], $0xffff  }
0x22f: {  	v2 =	vld.idx.msk [tilespmem:v2+s2+$0x0], $0xffff  }
0x230: {  	[tilespmem:v5+s10+$0x0] =	vst.idx.add.f32.msk $0xffff, v1  }
0x231: {  	v8 =	vadd.s32 s15, v8;
	v5 =	vld [tilespmem:s13+$0xFFFFFED0]  }
0x232: {  	v9 =	vld.idx.msk [tilespmem:v9+s2+$0x0], $0xffff  }
0x233: {  	[tilespmem:v3+s10+$0x0] =	vst.idx.add.f32.msk $0xffff, v1  }
0x234: {  	v10 =	vadd.s32 s16, v10;
	v3 =	vld [tilespmem:s20+$0x180]  }
0x235: {  	v2 =	vadd.s32 s21, v2;
	v4 =	vld.idx.msk [tilespmem:v4+s2+$0x0], $0xffff  }
0x236: {  	[tilespmem:v8+s10+$0x0] =	vst.idx.add.f32.msk $0xffff, v1  }
0x237: {  	v8 =	vld [tilespmem:s13+$0xFFFFFFD0]  }
0x238: {  	v9 =	vadd.s32 s18, v9;
	[tilespmem:v7+s10+$0x0] =	vst.idx.add.f32.msk $0xffff, v1  }
0x239: {  	[tilespmem:v10+s10+$0x0] =	vst.idx.add.f32.msk $0xffff, v1  }
0x23a: {  	[tilespmem:v2+s10+$0x0] =	vst.idx.add.f32.msk $0xffff, v1  }
0x23b: {  	v4 =	vadd.s32 s19, v4;
	v2 =	vld [tilespmem:s20+$0xFFFFFE70]  }
0x23c: {  	v3 =	vld.idx.msk [tilespmem:v3+s2+$0x0], $0xffff  }
0x23d: {  	[tilespmem:v9+s10+$0x0] =	vst.idx.add.f32.msk $0xffff, v1  }
0x23e: {  	v7 =	vld [tilespmem:s20+$0xFFFFFF70]  }
0x23f: {  	v9 =	vld [tilespmem:s13+$0xD0]  }
0x240: {  	[tilespmem:v4+s10+$0x0] =	vst.idx.add.f32.msk $0xffff, v1  }
0x241: {  	v4 =	vld [tilespmem:s20+$0x70]  }
0x242: {  	v3 =	vadd.s32 s17, v3;
	v5 =	vld.idx.msk [tilespmem:v5+s2+$0x0], $0xffff  }
0x243: {  	v2 =	vld.idx.msk [tilespmem:v2+s2+$0x0], $0xffff  }
0x244: {  	v8 =	vld.idx.msk [tilespmem:v8+s2+$0x0], $0xffff  }
0x245: {  	[tilespmem:v6+s10+$0x0] =	vst.idx.add.f32.msk $0xffff, v1  }
0x246: {  	v6 =	vld.idx.msk [tilespmem:v7+s2+$0x0], $0xffff  }
0x247: {  	[tilespmem:v3+s10+$0x0] =	vst.idx.add.f32.msk $0xffff, v1  }
0x248: {  	v5 =	vadd.s32 s14, v5;
	v3 =	vld [tilespmem:s20+$0x190]  }
0x249: {  	v2 =	vadd.s32 s21, v2;
	v4 =	vld.idx.msk [tilespmem:v4+s2+$0x0], $0xffff  }
0x24a: {  	v7 =	vadd.s32 s15, v8;
	v8 =	vld.idx.msk [tilespmem:v9+s2+$0x0], $0xffff  }
0x24b: {  	[tilespmem:v11+s10+$0x0] =	vst.idx.add.f32.msk $0xffff, v1  }
0x24c: {  	v6 =	vadd.s32 s18, v6  }
0x24d: {  	[tilespmem:v5+s10+$0x0] =	vst.idx.add.f32.msk $0xffff, v1  }
0x24e: {  	[tilespmem:v2+s10+$0x0] =	vst.idx.add.f32.msk $0xffff, v1  }
0x24f: {  	v4 =	vadd.s32 s19, v4;
	v2 =	vld [tilespmem:s20+$0xFFFFFE80]  }
0x250: {  	v5 =	vadd.s32 s16, v8;
	v3 =	vld.idx.msk [tilespmem:v3+s2+$0x0], $0xffff  }
0x251: {  	[tilespmem:v6+s10+$0x0] =	vst.idx.add.f32.msk $0xffff, v1  }
0x252: {  	v6 =	vld [tilespmem:s20+$0xFFFFFF80]  }
0x253: {  	[tilespmem:v7+s10+$0x0] =	vst.idx.add.f32.msk $0xffff, v1  }
0x254: {  	[tilespmem:v4+s10+$0x0] =	vst.idx.add.f32.msk $0xffff, v1  }
0x255: {  	v7 =	vld [tilespmem:s20+$0x80]  }
0x256: {  	v4 =	vadd.s32 s17, v3;
	[tilespmem:v5+s10+$0x0] =	vst.idx.add.f32.msk $0xffff, v1  }
0x257: {  	v8 =	vld.idx.msk [tilespmem:v2+s2+$0x0], $0xffff  }
0x258: {  	v3 =	vld [tilespmem:s13+$0xFFFFFEE0]  }
.Ltmp1:
0x259: {  	v2 =	vld [tilespmem:s13+$0xFFFFFFE0];
	(pc) =	sbr.rel @p0 .LBB2_4-.Ltmp1, $4  }
0x25a: {  	v6 =	vld.idx.msk [tilespmem:v6+s2+$0x0], $0xffff  }
0x25b: {  	[tilespmem:v4+s10+$0x0] =	vst.idx.add.f32.msk $0xffff, v1  }
0x25c: {  	v5 =	vld [tilespmem:s20+$0x1A0]  }
0x25d: {  	s25 =	sadd.s32 $0x200, s25;
	v4 =	vadd.s32 s21, v8;
	v7 =	vld.idx.msk [tilespmem:v7+s2+$0x0], $0xffff  }
0x25e: {  	_ =	sdelay $0x1  }
0x25f: {  	v6 =	vadd.s32 s18, v6;
	_ =	sdelay $0x1  }
0x260: {  	v7 =	vadd.s32 s19, v7  }
0x261: {  	[tilespmem:v4+s10+$0x0] =	vst.idx.add.f32.msk $0xffff, v1  }
0x262: {  	v4 =	vld [tilespmem:s23+$0xFFFFFE90]  }
0x263: {  	[tilespmem:v6+s10+$0x0] =	vst.idx.add.f32.msk $0xffff, v1  }
0x264: {  	v6 =	vld [tilespmem:s23+$0xFFFFFF90]  }
0x265: {  	[tilespmem:v7+s10+$0x0] =	vst.idx.add.f32.msk $0xffff, v1  }
0x266: {  	v7 =	vld [tilespmem:s23+$0x90];
	_ =	sdelay $0x3  }
0x267: {  	v4 =	vld.idx.msk [tilespmem:v4+s2+$0x0], $0xffff;
	_ =	sdelay $0x1  }
0x268: {  	v6 =	vld.idx.msk [tilespmem:v6+s2+$0x0], $0xffff;
	_ =	sdelay $0x1  }
0x269: {  	v7 =	vld.idx.msk [tilespmem:v7+s2+$0x0], $0xffff  }
0x26a: {  	v4 =	vadd.s32 s22, v4;
	_ =	sdelay $0x1  }
0x26b: {  	v6 =	vadd.s32 s18, v6;
	_ =	sdelay $0x1  }
0x26c: {  	v7 =	vadd.s32 s19, v7  }
0x26d: {  	[tilespmem:v4+s10+$0x0] =	vst.idx.add.f32.msk $0xffff, v1  }
0x26e: {  	v4 =	vld [tilespmem:s23+$0xFFFFFEA0]  }
0x26f: {  	[tilespmem:v6+s10+$0x0] =	vst.idx.add.f32.msk $0xffff, v1  }
0x270: {  	v6 =	vld [tilespmem:s23+$0xFFFFFFA0]  }
0x271: {  	[tilespmem:v7+s10+$0x0] =	vst.idx.add.f32.msk $0xffff, v1  }
0x272: {  	v7 =	vld [tilespmem:s23+$0xA0];
	_ =	sdelay $0x1  }
0x273: {  	v5 =	vld.idx.msk [tilespmem:v5+s2+$0x0], $0xffff;
	_ =	sdelay $0x1  }
0x274: {  	v4 =	vld.idx.msk [tilespmem:v4+s2+$0x0], $0xffff;
	_ =	sdelay $0x1  }
0x275: {  	v6 =	vld.idx.msk [tilespmem:v6+s2+$0x0], $0xffff  }
0x276: {  	v5 =	vadd.s32 s17, v5  }
0x277: {  	v7 =	vld.idx.msk [tilespmem:v7+s2+$0x0], $0xffff  }
0x278: {  	v4 =	vadd.s32 s22, v4;
	_ =	sdelay $0x1  }
0x279: {  	v6 =	vadd.s32 s18, v6  }
0x27a: {  	[tilespmem:v5+s10+$0x0] =	vst.idx.add.f32.msk $0xffff, v1  }
0x27b: {  	v5 =	vld [tilespmem:s23+$0x1B0];
	v7 =	vadd.s32 s19, v7  }
0x27c: {  	[tilespmem:v4+s10+$0x0] =	vst.idx.add.f32.msk $0xffff, v1  }
0x27d: {  	v4 =	vld [tilespmem:s23+$0xFFFFFEB0]  }
0x27e: {  	[tilespmem:v6+s10+$0x0] =	vst.idx.add.f32.msk $0xffff, v1  }
0x27f: {  	v6 =	vld [tilespmem:s23+$0xFFFFFFB0]  }
0x280: {  	[tilespmem:v7+s10+$0x0] =	vst.idx.add.f32.msk $0xffff, v1  }
0x281: {  	v7 =	vld [tilespmem:s23+$0xB0];
	_ =	sdelay $0x1  }
0x282: {  	v5 =	vld.idx.msk [tilespmem:v5+s2+$0x0], $0xffff;
	_ =	sdelay $0x1  }
0x283: {  	v4 =	vld.idx.msk [tilespmem:v4+s2+$0x0], $0xffff;
	_ =	sdelay $0x1  }
0x284: {  	v6 =	vld.idx.msk [tilespmem:v6+s2+$0x0], $0xffff  }
0x285: {  	v5 =	vadd.s32 s17, v5  }
0x286: {  	v7 =	vld.idx.msk [tilespmem:v7+s2+$0x0], $0xffff  }
0x287: {  	v4 =	vadd.s32 s22, v4;
	_ =	sdelay $0x1  }
0x288: {  	v6 =	vadd.s32 s18, v6  }
0x289: {  	[tilespmem:v5+s10+$0x0] =	vst.idx.add.f32.msk $0xffff, v1  }
0x28a: {  	v5 =	vld [tilespmem:s23+$0x1C0];
	v7 =	vadd.s32 s19, v7  }
0x28b: {  	[tilespmem:v4+s10+$0x0] =	vst.idx.add.f32.msk $0xffff, v1  }
0x28c: {  	v4 =	vld [tilespmem:s23+$0xFFFFFEC0]  }
0x28d: {  	[tilespmem:v6+s10+$0x0] =	vst.idx.add.f32.msk $0xffff, v1  }
0x28e: {  	v6 =	vld [tilespmem:s23+$0xFFFFFFC0]  }
0x28f: {  	[tilespmem:v7+s10+$0x0] =	vst.idx.add.f32.msk $0xffff, v1  }
0x290: {  	v7 =	vld [tilespmem:s23+$0xC0];
	_ =	sdelay $0x1  }
0x291: {  	v5 =	vld.idx.msk [tilespmem:v5+s2+$0x0], $0xffff;
	_ =	sdelay $0x1  }
0x292: {  	v4 =	vld.idx.msk [tilespmem:v4+s2+$0x0], $0xffff;
	_ =	sdelay $0x1  }
0x293: {  	v6 =	vld.idx.msk [tilespmem:v6+s2+$0x0], $0xffff  }
0x294: {  	v5 =	vadd.s32 s17, v5  }
0x295: {  	v7 =	vld.idx.msk [tilespmem:v7+s2+$0x0], $0xffff  }
0x296: {  	v4 =	vadd.s32 s22, v4;
	_ =	sdelay $0x1  }
0x297: {  	v6 =	vadd.s32 s18, v6  }
0x298: {  	[tilespmem:v5+s10+$0x0] =	vst.idx.add.f32.msk $0xffff, v1  }
0x299: {  	v5 =	vld [tilespmem:s23+$0x1D0];
	v7 =	vadd.s32 s19, v7  }
0x29a: {  	[tilespmem:v4+s10+$0x0] =	vst.idx.add.f32.msk $0xffff, v1  }
0x29b: {  	v4 =	vld [tilespmem:s23+$0xFFFFFED0]  }
0x29c: {  	[tilespmem:v6+s10+$0x0] =	vst.idx.add.f32.msk $0xffff, v1  }
0x29d: {  	v6 =	vld [tilespmem:s23+$0xFFFFFFD0]  }
0x29e: {  	[tilespmem:v7+s10+$0x0] =	vst.idx.add.f32.msk $0xffff, v1  }
0x29f: {  	v7 =	vld [tilespmem:s23+$0xD0];
	_ =	sdelay $0x1  }
0x2a0: {  	v5 =	vld.idx.msk [tilespmem:v5+s2+$0x0], $0xffff  }
0x2a1: {  	v8 =	vld [tilespmem:s13+$0xE0]  }
0x2a2: {  	v4 =	vld.idx.msk [tilespmem:v4+s2+$0x0], $0xffff;
	_ =	sdelay $0x1  }
0x2a3: {  	v6 =	vld.idx.msk [tilespmem:v6+s2+$0x0], $0xffff  }
0x2a4: {  	v5 =	vadd.s32 s17, v5  }
0x2a5: {  	v7 =	vld.idx.msk [tilespmem:v7+s2+$0x0], $0xffff  }
0x2a6: {  	v3 =	vld.idx.msk [tilespmem:v3+s2+$0x0], $0xffff;
	v4 =	vadd.s32 s22, v4  }
0x2a7: {  	v2 =	vld.idx.msk [tilespmem:v2+s2+$0x0], $0xffff  }
0x2a8: {  	v8 =	vld.idx.msk [tilespmem:v8+s2+$0x0], $0xffff;
	v6 =	vadd.s32 s18, v6  }
0x2a9: {  	[tilespmem:v5+s10+$0x0] =	vst.idx.add.f32.msk $0xffff, v1  }
0x2aa: {  	v57 =	vld [tilespmem:s23+$0x1E0];
	v56 =	vadd.s32 s19, v7  }
0x2ab: {  	[tilespmem:v4+s10+$0x0] =	vst.idx.add.f32.msk $0xffff, v1  }
0x2ac: {  	v4 =	vld [tilespmem:s23+$0xFFFFFEE0]  }
0x2ad: {  	[tilespmem:v6+s10+$0x0] =	vst.idx.add.f32.msk $0xffff, v1  }
0x2ae: {  	v3 =	vadd.s32 s14, v3;
	v58 =	vld [tilespmem:s23+$0xFFFFFFE0]  }
0x2af: {  	[tilespmem:v56+s10+$0x0] =	vst.idx.add.f32.msk $0xffff, v1  }
0x2b0: {  	v2 =	vadd.s32 s15, v2;
	v59 =	vld [tilespmem:s23+$0xE0];
	_ =	sdelay $0x1  }
0x2b1: {  	v7 =	vld.idx.msk [tilespmem:v57+s2+$0x0], $0xffff  }
0x2b2: {  	[tilespmem:v3+s10+$0x0] =	vst.idx.add.f32.msk $0xffff, v1  }
0x2b3: {  	v4 =	vld.idx.msk [tilespmem:v4+s2+$0x0], $0xffff  }
0x2b4: {  	[tilespmem:v2+s10+$0x0] =	vst.idx.add.f32.msk $0xffff, v1;
	v8 =	vadd.s32 s16, v8  }
0x2b5: {  	v5 =	vld.idx.msk [tilespmem:v58+s2+$0x0], $0xffff  }
0x2b6: {  	v61 =	vld [tilespmem:s13+$0xFFFFFEF0];
	v3 =	vadd.s32 s17, v7  }
0x2b7: {  	v6 =	vld.idx.msk [tilespmem:v59+s2+$0x0], $0xffff  }
0x2b8: {  	v62 =	vld [tilespmem:s13+$0xFFFFFFF0];
	v2 =	vadd.s32 s22, v4  }
0x2b9: {  	[tilespmem:v8+s10+$0x0] =	vst.idx.add.f32.msk $0xffff, v1  }
0x2ba: {  	v8 =	vld [tilespmem:s13+$0xF0];
	v60 =	vadd.s32 s18, v5  }
0x2bb: {  	[tilespmem:v3+s10+$0x0] =	vst.idx.add.f32.msk $0xffff, v1  }
0x2bc: {  	v3 =	vld [tilespmem:s23+$0x1F0];
	v6 =	vadd.s32 s19, v6  }
0x2bd: {  	[tilespmem:v2+s10+$0x0] =	vst.idx.add.f32.msk $0xffff, v1  }
0x2be: {  	v2 =	vld [tilespmem:s23+$0xFFFFFEF0]  }
0x2bf: {  	[tilespmem:v60+s10+$0x0] =	vst.idx.add.f32.msk $0xffff, v1  }
0x2c0: {  	v4 =	vld [tilespmem:s23+$0xFFFFFFF0]  }
0x2c1: {  	[tilespmem:v6+s10+$0x0] =	vst.idx.add.f32.msk $0xffff, v1  }
0x2c2: {  	v6 =	vld [tilespmem:s23+$0xF0];
	_ =	sdelay $0x1  }
0x2c3: {  	v3 =	vld.idx.msk [tilespmem:v3+s2+$0x0], $0xffff  }
0x2c4: {  	v8 =	vld.idx.msk [tilespmem:v8+s2+$0x0], $0xffff  }
0x2c5: {  	v7 =	vld.idx.msk [tilespmem:v62+s2+$0x0], $0xffff  }
0x2c6: {  	v5 =	vld.idx.msk [tilespmem:v61+s2+$0x0], $0xffff  }
0x2c7: {  	v2 =	vld.idx.msk [tilespmem:v2+s2+$0x0], $0xffff  }
0x2c8: {  	v3 =	vadd.s32 s17, v3;
	v4 =	vld.idx.msk [tilespmem:v4+s2+$0x0], $0xffff  }
0x2c9: {  	v8 =	vadd.s32 s16, v8;
	v6 =	vld.idx.msk [tilespmem:v6+s2+$0x0], $0xffff  }
0x2ca: {  	v7 =	vadd.s32 s15, v7  }
0x2cb: {  	v5 =	vadd.s32 s14, v5  }
0x2cc: {  	v2 =	vadd.s32 s22, v2  }
0x2cd: {  	[tilespmem:v3+s10+$0x0] =	vst.idx.add.f32.msk $0xffff, v1;
	v3 =	vadd.s32 s18, v4  }
0x2ce: {  	[tilespmem:v8+s10+$0x0] =	vst.idx.add.f32.msk $0xffff, v1;
	v63 =	vadd.s32 s19, v6  }
0x2cf: {  	[tilespmem:v7+s10+$0x0] =	vst.idx.add.f32.msk $0xffff, v1  }
0x2d0: {  	[tilespmem:v5+s10+$0x0] =	vst.idx.add.f32.msk $0xffff, v1  }
0x2d1: {  	s12 =	sadd.s32 $0x1, s12;
	[tilespmem:v2+s10+$0x0] =	vst.idx.add.f32.msk $0xffff, v1  }
0x2d2: {  	p0 =	sne.s32 s12, s6;
	[tilespmem:v3+s10+$0x0] =	vst.idx.add.f32.msk $0xffff, v1  }
.Ltmp2:
0x2d3: {  	[tilespmem:v63+s10+$0x0] =	vst.idx.add.f32.msk $0xffff, v1;
	(pc) =	sbr.rel @p0 .LBB2_1-.Ltmp2, $4  }
0x2d4: {  	[hbm4b:s5+s2] =	stream.linear.scatter [tilespmem:s10], [sflag:$0x3], $0x4000, $0x38;
	[tilespmem:$0x14000] =	vst v63  }
0x2d5: {  	_ =	swait.ge [sflag:s11], $0x4000  }
0x2d6: {  	[sflag:s11] =	ssyncset.done $0x0  }
0x2d7: {  	[sflag:s11] =	ssyncadd.s32 $0xFFFFC000  }
0x2d8: {  	_ =	sfence.sel $0x180000  }
0x2d9: {  	[bflag:$0x0] =	sbarrier.arrive $0xFFFF  }
0x2da: {  	p0 =	sne.s32 s1, $0x0;
	_ =	strace $0x90000047  }
0x2db: {  	s0 =	sadd.s32 @!p0 $0x100000, s0;
	[bflag:$0x2] =	sbarrier.arrive $0xFFFF  }
0x2dc: {  	[sflag:s0] =	ssyncadd.tile.s32 @!p0 $0x1;
	_ =	shalt  }
.Lfunc_end2:
_tile_overlayer_lowered:
.L_overlay_start_2:
0x2dd: {  	(tag) =	ssettag $0x2  }
0x2de: {  	s0 =	rddreg [dreg:$0x0];
	s2 =	stileid.u32  }
0x2df: {  	s1 =	rddreg [dreg:$0x1];
	p0 =	sne.s32 s2, $0x0  }
0x2e0: {  	s3 =	rddreg [dreg:$0x2];
	[bflag:$0x3] =	sbarrier.arrive $0xFFFF;
	s2 =	simm.s32 @!p0 $0x1C03  }
0x2e1: {  	[timem:s3], [sflag:s2] =	dma.local @!p0 [hbm:s0], s1  }
0x2e2: {  	s0 =	simm.s32 @!p0 $0x3  }
0x2e3: {  	_ =	swait.ge @!p0 [sflag:s0], s1  }
0x2e4: {  	s1 =	ssub.s32 @!p0 $0x0, s1;
	[sflag:s0] =	ssyncset.done @!p0 $0x0  }
0x2e5: {  	[sflag:s0] =	ssyncadd.s32 @!p0 s1  }
0x2e6: {  	[bflag:$0x3] =	sbarrier.arrive $0xFFFF  }
0x2e7: {  	_ =	shalt  }

</sc_bundles>
